<compile_context>
chip_gen: v7x
topology: tpu7x:2x2x1
jax: 0.10.2.dev20260603
libtpu: 0.0.44.dev20260713+nightly
codegen_flags: <defaults>
</compile_context>

<pallas_src>
import functools

import jax
import jax.numpy as jnp
from jax import lax
from jax.experimental import pallas as pl
from jax.experimental.pallas import tpu as pltpu
from jax.experimental.pallas import tpu_sc as plsc

N = 10000
E = 320000
D = 128
R = 200
NEG_SLOPE = 0.2291666667

NC = 2
NS = 16
NW = NC * NS

CHUNK = 128
E3 = 3 * E
NCHUNKS = 7680
NPAIR = NCHUNKS * CHUNK
CPT = NCHUNKS // NS
SEG = 60
NSEG = CPT // SEG
SPROWS = 10240
RPT = SPROWS // NS
TRASH = 10000
DEGB = 10016


def _tc_pre_body(dyn_ref, rel_ref, wn_ref, h_ref, hw_ref, rw_ref):
    x = dyn_ref[...]
    nrm = jnp.sqrt(jnp.sum(x * x, axis=1, keepdims=True))
    h = x / jnp.maximum(nrm, 1e-12)
    h_ref[...] = h
    hw_ref[...] = jnp.dot(h, wn_ref[...], preferred_element_type=jnp.float32)

    @pl.when(pl.program_id(0) == 0)
    def _():
        e = rel_ref[...]
        nr = jnp.sqrt(jnp.sum(e * e, axis=1, keepdims=True))
        r = e / jnp.maximum(nr, 1e-12)
        rw_ref[...] = jnp.dot(r, wn_ref[...], preferred_element_type=jnp.float32)


def _tc_pre(dyn, rel, w_neigh):
    blk = 1000
    grid = N // blk
    return pl.pallas_call(
        _tc_pre_body,
        grid=(grid,),
        in_specs=[
            pl.BlockSpec((blk, D), lambda i: (i, 0)),
            pl.BlockSpec((R, D), lambda i: (0, 0)),
            pl.BlockSpec((D, D), lambda i: (0, 0)),
        ],
        out_specs=[
            pl.BlockSpec((blk, D), lambda i: (i, 0)),
            pl.BlockSpec((blk, D), lambda i: (i, 0)),
            pl.BlockSpec((R, D), lambda i: (0, 0)),
        ],
        out_shape=[
            jax.ShapeDtypeStruct((N, D), jnp.float32),
            jax.ShapeDtypeStruct((N, D), jnp.float32),
            jax.ShapeDtypeStruct((R, D), jnp.float32),
        ],
    )(dyn, rel, w_neigh)


def _sc_agg_body(t_hbm, idx_hbm, out_agg,
                 idx, h0, h1, agg_sp, gsem0, gsem1, ssem0, ssem1):
    s = lax.axis_index("s")
    zero16 = jnp.zeros((16,), jnp.float32)

    def zrow(i, _):
        for cb in range(D // 16):
            h0[i, pl.ds(cb * 16, 16)] = zero16
        return 0
    lax.fori_loop(0, CHUNK, zrow, 0)

    base = s * RPT

    def zsp(i, _):
        pltpu.sync_copy(h0, agg_sp.at[pl.ds(base + i * CHUNK, CHUNK)])
        return 0
    lax.fori_loop(0, RPT // CHUNK, zsp, 0)

    plsc.subcore_barrier()

    def gather(j, buf, sem):
        return pltpu.async_copy(t_hbm.at[idx.at[j]], buf, sem)

    def scatter(j, buf, sem):
        return pltpu.async_copy(buf, agg_sp.at[idx.at[SEG + j]], sem, add=True)

    def wait_gather(j, buf, sem):
        pltpu.make_async_copy(t_hbm.at[idx.at[j]], buf, sem).wait()

    def wait_scatter(j, buf, sem):
        pltpu.make_async_copy(buf, agg_sp.at[idx.at[SEG + j]], sem).wait()

    def seg_body(g, _):
        pltpu.sync_copy(idx_hbm.at[s * NSEG + g], idx)

        gather(0, h0, gsem0)
        gather(1, h1, gsem1)

        def chunk_body(k, _):
            j = 2 * k
            wait_gather(j, h0, gsem0)
            scatter(j, h0, ssem0)
            wait_gather(j + 1, h1, gsem1)
            scatter(j + 1, h1, ssem1)
            wait_scatter(j, h0, ssem0)
            gather(j + 2, h0, gsem0)
            wait_scatter(j + 1, h1, ssem1)
            gather(j + 3, h1, gsem1)
            return 0

        lax.fori_loop(0, (SEG - 2) // 2, chunk_body, 0)

        wait_gather(SEG - 2, h0, gsem0)
        scatter(SEG - 2, h0, ssem0)
        wait_gather(SEG - 1, h1, gsem1)
        scatter(SEG - 1, h1, ssem1)
        wait_scatter(SEG - 2, h0, ssem0)
        wait_scatter(SEG - 1, h1, ssem1)
        return 0

    lax.fori_loop(0, NSEG, seg_body, 0)

    plsc.subcore_barrier()

    pltpu.sync_copy(agg_sp.at[pl.ds(base, RPT)], out_agg.at[pl.ds(base, RPT)])


def _sc_agg(table, idx3):
    mesh = plsc.VectorSubcoreMesh(core_axis_name="c", subcore_axis_name="s",
                                  num_cores=1, num_subcores=NS)
    f = functools.partial(
        pl.kernel,
        out_type=jax.ShapeDtypeStruct((SPROWS, D), jnp.float32),
        mesh=mesh,
        scratch_types=[
            pltpu.VMEM((2 * SEG, CHUNK), jnp.int32),
            pltpu.VMEM((CHUNK, D), jnp.float32),
            pltpu.VMEM((CHUNK, D), jnp.float32),
            pltpu.VMEM_SHARED((SPROWS, D), jnp.float32),
            pltpu.SemaphoreType.DMA,
            pltpu.SemaphoreType.DMA,
            pltpu.SemaphoreType.DMA,
            pltpu.SemaphoreType.DMA,
        ],
    )(_sc_agg_body)
    return f(table, idx3)


def _tc_post_body(h_ref, agg_ref, degp_ref, wl_ref,
                  wih_ref, whh_ref, bih_ref, bhh_ref, tgw_ref, tgb_ref,
                  out_ref):
    h = h_ref[...]
    deg = degp_ref[...][:, 0]
    agg = agg_ref[...] / jnp.maximum(deg, 1.0)[:, None]
    pre = agg + jnp.dot(h, wl_ref[...], preferred_element_type=jnp.float32)
    x = jnp.where(pre >= 0, pre, NEG_SLOPE * pre)
    gi = jnp.dot(x, wih_ref[...], preferred_element_type=jnp.float32) + bih_ref[...]
    gh = jnp.dot(h, whh_ref[...], preferred_element_type=jnp.float32) + bhh_ref[...]
    i_r, i_z, i_n = gi[:, :D], gi[:, D:2 * D], gi[:, 2 * D:]
    h_r, h_z, h_n = gh[:, :D], gh[:, D:2 * D], gh[:, 2 * D:]
    rg = jax.nn.sigmoid(i_r + h_r)
    zg = jax.nn.sigmoid(i_z + h_z)
    ng = jnp.tanh(i_n + rg * h_n)
    h_new = (1.0 - zg) * ng + zg * h
    gate = jax.nn.sigmoid(
        jnp.dot(h, tgw_ref[...], preferred_element_type=jnp.float32) + tgb_ref[...])
    out_ref[...] = gate * h_new + (1.0 - gate) * h


def _tc_post(h, agg, degp, w_loop, wih_t, whh_t, b_ih, b_hh, tg_w, tg_b):
    blk = 1000
    grid = N // blk
    return pl.pallas_call(
        _tc_post_body,
        grid=(grid,),
        in_specs=[
            pl.BlockSpec((blk, D), lambda i: (i, 0)),
            pl.BlockSpec((blk, D), lambda i: (i, 0)),
            pl.BlockSpec((blk, 1), lambda i: (i, 0)),
            pl.BlockSpec((D, D), lambda i: (0, 0)),
            pl.BlockSpec((D, 3 * D), lambda i: (0, 0)),
            pl.BlockSpec((D, 3 * D), lambda i: (0, 0)),
            pl.BlockSpec((1, 3 * D), lambda i: (0, 0)),
            pl.BlockSpec((1, 3 * D), lambda i: (0, 0)),
            pl.BlockSpec((D, D), lambda i: (0, 0)),
            pl.BlockSpec((1, D), lambda i: (0, 0)),
        ],
        out_specs=pl.BlockSpec((blk, D), lambda i: (i, 0)),
        out_shape=jax.ShapeDtypeStruct((N, D), jnp.float32),
    )(h, agg, degp, w_loop, wih_t, whh_t, b_ih, b_hh, tg_w, tg_b)


def kernel(edge_index, edge_type, dynamic_emb, emb_rel, W_neigh, W_loop,
           gru_w_ih, gru_w_hh, gru_b_ih, gru_b_hh, time_gate_w, time_gate_b):
    src = edge_index[0]
    dst = edge_index[1]

    h, hw, rw = _tc_pre(dynamic_emb, emb_rel, W_neigh)

    table = jnp.concatenate([hw, rw, jnp.eye(D, dtype=jnp.float32)], axis=0)
    npad = NPAIR - E3
    ept = E // NS
    ppt = npad // NS
    slab_g = jnp.concatenate([
        src.reshape(NS, ept),
        (edge_type + N).reshape(NS, ept),
        ((dst % D) + (N + R)).reshape(NS, ept),
        jnp.zeros((NS, ppt), jnp.int32)], axis=1)
    trash = TRASH + (jnp.arange(ppt, dtype=jnp.int32) % 16)
    slab_d = jnp.concatenate([
        dst.reshape(NS, ept),
        dst.reshape(NS, ept),
        (DEGB + dst // D).reshape(NS, ept),
        jnp.broadcast_to(trash, (NS, ppt))], axis=1)
    g4 = slab_g.reshape(NS, NSEG, SEG, CHUNK)
    d4 = slab_d.reshape(NS, NSEG, SEG, CHUNK)
    idx3 = jnp.concatenate([g4, d4], axis=2).reshape(NS * NSEG, 2 * SEG, CHUNK)

    out_sp = _sc_agg(table, idx3)
    agg = out_sp[:N]
    degp = out_sp[DEGB:DEGB + 80].reshape(-1)[:N].reshape(N, 1)

    out = _tc_post(h, agg, degp, W_loop,
                   gru_w_ih.T, gru_w_hh.T,
                   gru_b_ih.reshape(1, 3 * D), gru_b_hh.reshape(1, 3 * D),
                   time_gate_w, time_gate_b.reshape(1, D))
    return out

# --- scband reference (transcript-rebuilt; emitter-appended) ---
"""Pipeline reference for scband-recurrent-rgcn-12180527251900 (READ-ONLY COPY).

The authoritative reference and input builder live on the scoring server;
editing this copy changes nothing except your own understanding.
"""

import jax, jax.numpy as jnp
import numpy as np

N = 10000   # num_ents
E = 320000  # num edges
D = 128     # h_dim
R = 200     # num_rels * 2
NEG_SLOPE = 0.2291666667  # eval-mode rrelu slope = (1/8 + 1/3) / 2


def _l2norm(x):
    n = jnp.maximum(jnp.linalg.norm(x, axis=1, keepdims=True), 1e-12)
    return x / n


def setup_inputs(seed: int = 0) -> dict:
    key = jax.random.key(seed)
    ks = [jax.random.fold_in(key, i) for i in range(12)]
    s = 1.0 / np.sqrt(D)
    inp = {}
    inp["edge_index"] = jax.random.randint(ks[0], (2, E), 0, N, dtype=jnp.int32)
    inp["edge_type"] = jax.random.randint(ks[1], (E,), 0, R, dtype=jnp.int32)
    # learned parameters (per init_kwargs: num_ents=10000, num_rels=100, h_dim=128)
    inp["dynamic_emb"] = jax.random.normal(ks[2], (N, D), jnp.float32)
    inp["emb_rel"] = jax.random.normal(ks[3], (R, D), jnp.float32) * s
    inp["W_neigh"] = jax.random.normal(ks[4], (D, D), jnp.float32) * s
    inp["W_loop"] = jax.random.normal(ks[5], (D, D), jnp.float32) * s
    inp["gru_w_ih"] = jax.random.normal(ks[6], (3 * D, D), jnp.float32) * s
    inp["gru_w_hh"] = jax.random.normal(ks[7], (3 * D, D), jnp.float32) * s
    inp["gru_b_ih"] = jnp.zeros((3 * D,), jnp.float32)
    inp["gru_b_hh"] = jnp.zeros((3 * D,), jnp.float32)
    inp["time_gate_w"] = jax.random.normal(ks[8], (D, D), jnp.float32) * s
    inp["time_gate_b"] = jnp.zeros((D,), jnp.float32)
    return inp


def reference(edge_index, edge_type, dynamic_emb, emb_rel, W_neigh, W_loop,
              gru_w_ih, gru_w_hh, gru_b_ih, gru_b_hh, time_gate_w, time_gate_b):
    # One recurrent evolution step of RecurrentRGCN (layer_norm=True path):
    # normalize -> UnionRGCN message passing (mean agg + self-loop + rrelu)
    # -> GRU entity cell -> time gate.
    src = edge_index[0]
    dst = edge_index[1]
    h = _l2norm(dynamic_emb)
    r = _l2norm(emb_rel)
    # (h[src] + r[etype]) @ W_neigh == (h @ W)[src] + (r @ W)[etype]  (linearity)
    hW = h @ W_neigh
    rW = r @ W_neigh
    msg = jnp.take(hW, src, axis=0) + jnp.take(rW, edge_type, axis=0)
    agg = jax.ops.segment_sum(msg, dst, num_segments=N)
    deg = jax.ops.segment_sum(jnp.ones((E,), jnp.float32), dst, num_segments=N)
    agg = agg / jnp.maximum(deg, 1.0)[:, None]
    pre = agg + h @ W_loop
    x = jnp.where(pre >= 0, pre, NEG_SLOPE * pre)  # rrelu, eval mode
    # GRU cell: input = x, hidden = h (PyTorch GRUCell math)
    gi = x @ gru_w_ih.T + gru_b_ih
    gh = h @ gru_w_hh.T + gru_b_hh
    i_r, i_z, i_n = jnp.split(gi, 3, axis=1)
    h_r, h_z, h_n = jnp.split(gh, 3, axis=1)
    rg = jax.nn.sigmoid(i_r + h_r)
    zg = jax.nn.sigmoid(i_z + h_z)
    ng = jnp.tanh(i_n + rg * h_n)
    h_new = (1.0 - zg) * ng + zg * h
    # time gate
    gate = jax.nn.sigmoid(h @ time_gate_w + time_gate_b)
    out = gate * h_new + (1.0 - gate) * h
    return out

if __name__ == "__main__":
    import jax
    _d = setup_inputs()
    print(jax.jit(kernel)(*tuple(_d.values())))

</pallas_src>

<mosaic_0001>
#map = affine_map<(d0, d1) -> (0, 0)>
#map1 = affine_map<(d0, d1) -> (0, 0, 0)>
module attributes {stable_mosaic.version = 14 : i64} {
  func.func @_sc_agg_body(%arg0: i32, %arg1: i32, %arg2: memref<10328x128xf32, #tpu.memory_space<hbm>>, %arg3: memref<128x120x128xi32, #tpu.memory_space<hbm>>, %arg4: memref<10240x128xf32, #tpu.memory_space<hbm>>, %arg5: memref<120x128xi32, #tpu.memory_space<vmem>>, %arg6: memref<128x128xf32, #tpu.memory_space<vmem>>, %arg7: memref<128x128xf32, #tpu.memory_space<vmem>>, %arg8: memref<10240x128xf32, #tpu.memory_space<vmem_shared>>, %arg9: memref<!tpu.dma_semaphore, #tpu.memory_space<semaphore_mem>>, %arg10: memref<!tpu.dma_semaphore, #tpu.memory_space<semaphore_mem>>, %arg11: memref<!tpu.dma_semaphore, #tpu.memory_space<semaphore_mem>>, %arg12: memref<!tpu.dma_semaphore, #tpu.memory_space<semaphore_mem>>) attributes {dimension_semantics = [#tpu.dimension_semantics<core_parallel>, #tpu.dimension_semantics<subcore_parallel>], iteration_bounds = array<i64: 1, 16>, scalar_prefetch = 0 : i64, scratch_operands = 8 : i64, tpu.core_type = #tpu.core_type<sc_vector_subcore>, window_params = [{transform_indices = #map}, {transform_indices = #map1}, {transform_indices = #map}]} {
    %broadcast_in_dim3A = arith.constant 0.000000e+00 : f32
    %broadcast_in_dim3A_0 = vector.broadcast %broadcast_in_dim3A : f32 to vector<16xf32>
    %scan3A = arith.constant 0 : i32
    %scan3A_1 = arith.constant 0 : i32
    %scan3A_2 = arith.constant 128 : i32
    %scan3A_3 = arith.addi %scan3A_1, %scan3A_2 : i32
    %scan3A_4 = arith.constant 1 : i32
    %scan3A_5 = scf.for %scan3A_23 = %scan3A_1 to %scan3A_3 step %scan3A_4 iter_args(%scan3A_24 = %scan3A) -> (i32)  : i32 {
      %swap3A = arith.index_cast %scan3A_23 : i32 to index
      %swap3A_25 = arith.constant 0 : index
      %swap3A_26 = tpu.vector_load %arg6[%swap3A, %swap3A_25] {strides = array<i32>} : memref<128x128xf32, #tpu.memory_space<vmem>>, vector<1x16xf32>,
      %swap3A_27 = vector.shape_cast %swap3A_26 : vector<1x16xf32> to vector<16xf32>
      %swap3A_28 = vector.shape_cast %broadcast_in_dim3A_0 : vector<16xf32> to vector<1x16xf32>
      tpu.vector_store %arg6[%swap3A, %swap3A_25], %swap3A_28 {strides = array<i32>} : memref<128x128xf32, #tpu.memory_space<vmem>>, vector<1x16xf32>,
      %swap3A_29 = arith.index_cast %scan3A_23 : i32 to index
      %swap3A_30 = arith.constant 16 : index
      %swap3A_31 = tpu.vector_load %arg6[%swap3A_29, %swap3A_30] {strides = array<i32>} : memref<128x128xf32, #tpu.memory_space<vmem>>, vector<1x16xf32>,
      %swap3A_32 = vector.shape_cast %swap3A_31 : vector<1x16xf32> to vector<16xf32>
      %swap3A_33 = vector.shape_cast %broadcast_in_dim3A_0 : vector<16xf32> to vector<1x16xf32>
      tpu.vector_store %arg6[%swap3A_29, %swap3A_30], %swap3A_33 {strides = array<i32>} : memref<128x128xf32, #tpu.memory_space<vmem>>, vector<1x16xf32>,
      %swap3A_34 = arith.index_cast %scan3A_23 : i32 to index
      %swap3A_35 = arith.constant 32 : index
      %swap3A_36 = tpu.vector_load %arg6[%swap3A_34, %swap3A_35] {strides = array<i32>} : memref<128x128xf32, #tpu.memory_space<vmem>>, vector<1x16xf32>,
      %swap3A_37 = vector.shape_cast %swap3A_36 : vector<1x16xf32> to vector<16xf32>
      %swap3A_38 = vector.shape_cast %broadcast_in_dim3A_0 : vector<16xf32> to vector<1x16xf32>
      tpu.vector_store %arg6[%swap3A_34, %swap3A_35], %swap3A_38 {strides = array<i32>} : memref<128x128xf32, #tpu.memory_space<vmem>>, vector<1x16xf32>,
      %swap3A_39 = arith.index_cast %scan3A_23 : i32 to index
      %swap3A_40 = arith.constant 48 : index
      %swap3A_41 = tpu.vector_load %arg6[%swap3A_39, %swap3A_40] {strides = array<i32>} : memref<128x128xf32, #tpu.memory_space<vmem>>, vector<1x16xf32>,
      %swap3A_42 = vector.shape_cast %swap3A_41 : vector<1x16xf32> to vector<16xf32>
      %swap3A_43 = vector.shape_cast %broadcast_in_dim3A_0 : vector<16xf32> to vector<1x16xf32>
      tpu.vector_store %arg6[%swap3A_39, %swap3A_40], %swap3A_43 {strides = array<i32>} : memref<128x128xf32, #tpu.memory_space<vmem>>, vector<1x16xf32>,
      %swap3A_44 = arith.index_cast %scan3A_23 : i32 to index
      %swap3A_45 = arith.constant 64 : index
      %swap3A_46 = tpu.vector_load %arg6[%swap3A_44, %swap3A_45] {strides = array<i32>} : memref<128x128xf32, #tpu.memory_space<vmem>>, vector<1x16xf32>,
      %swap3A_47 = vector.shape_cast %swap3A_46 : vector<1x16xf32> to vector<16xf32>
      %swap3A_48 = vector.shape_cast %broadcast_in_dim3A_0 : vector<16xf32> to vector<1x16xf32>
      tpu.vector_store %arg6[%swap3A_44, %swap3A_45], %swap3A_48 {strides = array<i32>} : memref<128x128xf32, #tpu.memory_space<vmem>>, vector<1x16xf32>,
      %swap3A_49 = arith.index_cast %scan3A_23 : i32 to index
      %swap3A_50 = arith.constant 80 : index
      %swap3A_51 = tpu.vector_load %arg6[%swap3A_49, %swap3A_50] {strides = array<i32>} : memref<128x128xf32, #tpu.memory_space<vmem>>, vector<1x16xf32>,
      %swap3A_52 = vector.shape_cast %swap3A_51 : vector<1x16xf32> to vector<16xf32>
      %swap3A_53 = vector.shape_cast %broadcast_in_dim3A_0 : vector<16xf32> to vector<1x16xf32>
      tpu.vector_store %arg6[%swap3A_49, %swap3A_50], %swap3A_53 {strides = array<i32>} : memref<128x128xf32, #tpu.memory_space<vmem>>, vector<1x16xf32>,
      %swap3A_54 = arith.index_cast %scan3A_23 : i32 to index
      %swap3A_55 = arith.constant 96 : index
      %swap3A_56 = tpu.vector_load %arg6[%swap3A_54, %swap3A_55] {strides = array<i32>} : memref<128x128xf32, #tpu.memory_space<vmem>>, vector<1x16xf32>,
      %swap3A_57 = vector.shape_cast %swap3A_56 : vector<1x16xf32> to vector<16xf32>
      %swap3A_58 = vector.shape_cast %broadcast_in_dim3A_0 : vector<16xf32> to vector<1x16xf32>
      tpu.vector_store %arg6[%swap3A_54, %swap3A_55], %swap3A_58 {strides = array<i32>} : memref<128x128xf32, #tpu.memory_space<vmem>>, vector<1x16xf32>,
      %swap3A_59 = arith.index_cast %scan3A_23 : i32 to index
      %swap3A_60 = arith.constant 112 : index
      %swap3A_61 = tpu.vector_load %arg6[%swap3A_59, %swap3A_60] {strides = array<i32>} : memref<128x128xf32, #tpu.memory_space<vmem>>, vector<1x16xf32>,
      %swap3A_62 = vector.shape_cast %swap3A_61 : vector<1x16xf32> to vector<16xf32>
      %swap3A_63 = vector.shape_cast %broadcast_in_dim3A_0 : vector<16xf32> to vector<1x16xf32>
      tpu.vector_store %arg6[%swap3A_59, %swap3A_60], %swap3A_63 {strides = array<i32>} : memref<128x128xf32, #tpu.memory_space<vmem>>, vector<1x16xf32>,
      %scan3A_64 = arith.constant 0 : i32
      scf.yield %scan3A_64 : i32
    }
    %scan3A_6 = arith.constant 128 : i32
    %mul3A = arith.constant 640 : i32
    %mul3A_7 = arith.muli %arg1, %mul3A : i32
    %scan3A_8 = arith.constant 0 : i32
    %scan3A_9 = arith.constant 0 : i32
    %scan3A_10 = arith.constant 5 : i32
    %scan3A_11 = arith.addi %scan3A_9, %scan3A_10 : i32
    %scan3A_12 = arith.constant 1 : i32
    %scan3A_13 = scf.for %scan3A_23 = %scan3A_9 to %scan3A_11 step %scan3A_12 iter_args(%scan3A_24 = %scan3A_8) -> (i32)  : i32 {
      %mul3A_25 = arith.constant 128 : i32
      %mul3A_26 = arith.muli %scan3A_23, %mul3A_25 : i32
      %add3A = arith.addi %mul3A_7, %mul3A_26 : i32
      "tpu.region"() ({
        %run_scoped3A = tpu.sem_alloc : memref<!tpu.dma_semaphore, #tpu.memory_space<semaphore_mem>>
        %dma_start3A = arith.constant 0 : i32
        %dma_start3A_28 = tpu.memref_slice %arg8[%add3A, %dma_start3A] : memref<10240x128xf32, #tpu.memory_space<vmem_shared>> -> memref<128x128xf32, #tpu.memory_space<vmem_shared>>
        %dma_start3A_29 = arith.constant 0 : i32
        %dma_start3A_30 = tpu.memref_slice %arg8[%add3A, %dma_start3A_29] : memref<10240x128xf32, #tpu.memory_space<vmem_shared>> -> memref<128x128xf32, #tpu.memory_space<vmem_shared>>
        tpu.enqueue_dma source(%arg6 : memref<128x128xf32, #tpu.memory_space<vmem>>) target(%dma_start3A_30 : memref<128x128xf32, #tpu.memory_space<vmem_shared>>) target_semaphore(%run_scoped3A : memref<!tpu.dma_semaphore, #tpu.memory_space<semaphore_mem>>)
        %dma_wait3A = arith.constant 0 : i32
        %dma_wait3A_31 = tpu.memref_slice %arg8[%add3A, %dma_wait3A] : memref<10240x128xf32, #tpu.memory_space<vmem_shared>> -> memref<128x128xf32, #tpu.memory_space<vmem_shared>>
        %dma_wait3A_32 = arith.constant 0 : i32
        %dma_wait3A_33 = tpu.memref_slice %arg8[%add3A, %dma_wait3A_32] : memref<10240x128xf32, #tpu.memory_space<vmem_shared>> -> memref<128x128xf32, #tpu.memory_space<vmem_shared>>
        tpu.wait_dma2 semaphore(%run_scoped3A : memref<!tpu.dma_semaphore, #tpu.memory_space<semaphore_mem>>) src(%arg6 : memref<128x128xf32, #tpu.memory_space<vmem>>) dst(%dma_wait3A_33 : memref<128x128xf32, #tpu.memory_space<vmem_shared>>)
        tpu.yield
      }) : () -> ()
      %scan3A_27 = arith.constant 0 : i32
      scf.yield %scan3A_27 : i32
    }
    %scan3A_14 = arith.constant 5 : i32
    %barrier3A = arith.constant 0 : index
    tpu.barrier barrier_id(%barrier3A)
    %scan3A_15 = arith.constant 0 : i32
    %scan3A_16 = arith.constant 0 : i32
    %scan3A_17 = arith.constant 8 : i32
    %scan3A_18 = arith.addi %scan3A_16, %scan3A_17 : i32
    %scan3A_19 = arith.constant 1 : i32
    %scan3A_20 = scf.for %scan3A_23 = %scan3A_16 to %scan3A_18 step %scan3A_19 iter_args(%scan3A_24 = %scan3A_15) -> (i32)  : i32 {
      %mul3A_25 = arith.constant 8 : i32
      %mul3A_26 = arith.muli %arg1, %mul3A_25 : i32
      %add3A = arith.addi %mul3A_26, %scan3A_23 : i32
      "tpu.region"() ({
        %run_scoped3A = tpu.sem_alloc : memref<!tpu.dma_semaphore, #tpu.memory_space<semaphore_mem>>
        %dma_start3A_89 = arith.constant 0 : i32
        %dma_start3A_90 = arith.constant 0 : i32
        %dma_start3A_91 = tpu.memref_slice %arg3[%add3A, %dma_start3A_89, %dma_start3A_90] : memref<128x120x128xi32, #tpu.memory_space<hbm>> -> memref<1x120x128xi32, #tpu.memory_space<hbm>>
        %dma_start3A_92 = tpu.memref_squeeze %dma_start3A_91 : memref<1x120x128xi32, #tpu.memory_space<hbm>> -> memref<120x128xi32, #tpu.memory_space<hbm>>
        %dma_start3A_93 = arith.constant 0 : i32
        %dma_start3A_94 = arith.constant 0 : i32
        %dma_start3A_95 = tpu.memref_slice %arg3[%add3A, %dma_start3A_93, %dma_start3A_94] : memref<128x120x128xi32, #tpu.memory_space<hbm>> -> memref<1x120x128xi32, #tpu.memory_space<hbm>>
        %dma_start3A_96 = tpu.memref_squeeze %dma_start3A_95 : memref<1x120x128xi32, #tpu.memory_space<hbm>> -> memref<120x128xi32, #tpu.memory_space<hbm>>
        tpu.enqueue_dma source(%dma_start3A_96 : memref<120x128xi32, #tpu.memory_space<hbm>>) target(%arg5 : memref<120x128xi32, #tpu.memory_space<vmem>>) target_semaphore(%run_scoped3A : memref<!tpu.dma_semaphore, #tpu.memory_space<semaphore_mem>>)
        %dma_wait3A_97 = arith.constant 0 : i32
        %dma_wait3A_98 = arith.constant 0 : i32
        %dma_wait3A_99 = tpu.memref_slice %arg3[%add3A, %dma_wait3A_97, %dma_wait3A_98] : memref<128x120x128xi32, #tpu.memory_space<hbm>> -> memref<1x120x128xi32, #tpu.memory_space<hbm>>
        %dma_wait3A_100 = tpu.memref_squeeze %dma_wait3A_99 : memref<1x120x128xi32, #tpu.memory_space<hbm>> -> memref<120x128xi32, #tpu.memory_space<hbm>>
        %dma_wait3A_101 = arith.constant 0 : i32
        %dma_wait3A_102 = arith.constant 0 : i32
        %dma_wait3A_103 = tpu.memref_slice %arg3[%add3A, %dma_wait3A_101, %dma_wait3A_102] : memref<128x120x128xi32, #tpu.memory_space<hbm>> -> memref<1x120x128xi32, #tpu.memory_space<hbm>>
        %dma_wait3A_104 = tpu.memref_squeeze %dma_wait3A_103 : memref<1x120x128xi32, #tpu.memory_space<hbm>> -> memref<120x128xi32, #tpu.memory_space<hbm>>
        tpu.wait_dma2 semaphore(%run_scoped3A : memref<!tpu.dma_semaphore, #tpu.memory_space<semaphore_mem>>) src(%dma_wait3A_104 : memref<120x128xi32, #tpu.memory_space<hbm>>) dst(%arg5 : memref<120x128xi32, #tpu.memory_space<vmem>>)
        tpu.yield
      }) : () -> ()
      %dma_start3A = arith.constant 0 : i32
      %dma_start3A_27 = arith.constant 0 : i32
      %dma_start3A_28 = tpu.memref_slice %arg5[%dma_start3A, %dma_start3A_27] : memref<120x128xi32, #tpu.memory_space<vmem>> -> memref<1x128xi32, #tpu.memory_space<vmem>>
      %dma_start3A_29 = tpu.memref_squeeze %dma_start3A_28 : memref<1x128xi32, #tpu.memory_space<vmem>> -> memref<128xi32, #tpu.memory_space<vmem>>
      %dma_start3A_30 = arith.constant 0 : i32
      %dma_start3A_31 = arith.constant 0 : i32
      %dma_start3A_32 = tpu.memref_slice %arg2[%dma_start3A_30, %dma_start3A_31] : memref<10328x128xf32, #tpu.memory_space<hbm>> -> memref<10328x128xf32, #tpu.memory_space<hbm>>
      tpu.enqueue_indirect_dma source(%dma_start3A_32 : memref<10328x128xf32, #tpu.memory_space<hbm>>) target(%arg6 : memref<128x128xf32, #tpu.memory_space<vmem>>) offsets(%dma_start3A_29 : memref<128xi32, #tpu.memory_space<vmem>>) semaphore(%arg9 : memref<!tpu.dma_semaphore, #tpu.memory_space<semaphore_mem>>)
      %dma_start3A_33 = arith.constant 1 : i32
      %dma_start3A_34 = arith.constant 0 : i32
      %dma_start3A_35 = tpu.memref_slice %arg5[%dma_start3A_33, %dma_start3A_34] : memref<120x128xi32, #tpu.memory_space<vmem>> -> memref<1x128xi32, #tpu.memory_space<vmem>>
      %dma_start3A_36 = tpu.memref_squeeze %dma_start3A_35 : memref<1x128xi32, #tpu.memory_space<vmem>> -> memref<128xi32, #tpu.memory_space<vmem>>
      %dma_start3A_37 = arith.constant 0 : i32
      %dma_start3A_38 = arith.constant 0 : i32
      %dma_start3A_39 = tpu.memref_slice %arg2[%dma_start3A_37, %dma_start3A_38] : memref<10328x128xf32, #tpu.memory_space<hbm>> -> memref<10328x128xf32, #tpu.memory_space<hbm>>
      tpu.enqueue_indirect_dma source(%dma_start3A_39 : memref<10328x128xf32, #tpu.memory_space<hbm>>) target(%arg7 : memref<128x128xf32, #tpu.memory_space<vmem>>) offsets(%dma_start3A_36 : memref<128xi32, #tpu.memory_space<vmem>>) semaphore(%arg10 : memref<!tpu.dma_semaphore, #tpu.memory_space<semaphore_mem>>)
      %scan3A_40 = arith.constant 0 : i32
      %scan3A_41 = arith.constant 0 : i32
      %scan3A_42 = arith.constant 29 : i32
      %scan3A_43 = arith.addi %scan3A_41, %scan3A_42 : i32
      %scan3A_44 = arith.constant 1 : i32
      %scan3A_45 = scf.for %scan3A_89 = %scan3A_41 to %scan3A_43 step %scan3A_44 iter_args(%scan3A_90 = %scan3A_40) -> (i32)  : i32 {
        %mul3A_91 = arith.constant 2 : i32
        %mul3A_92 = arith.muli %mul3A_91, %scan3A_89 : i32
        %dma_wait3A_93 = arith.constant 0 : i32
        %dma_wait3A_94 = tpu.memref_slice %arg5[%mul3A_92, %dma_wait3A_93] : memref<120x128xi32, #tpu.memory_space<vmem>> -> memref<1x128xi32, #tpu.memory_space<vmem>>
        %dma_wait3A_95 = tpu.memref_squeeze %dma_wait3A_94 : memref<1x128xi32, #tpu.memory_space<vmem>> -> memref<128xi32, #tpu.memory_space<vmem>>
        %dma_wait3A_96 = arith.constant 0 : i32
        %dma_wait3A_97 = arith.constant 0 : i32
        %dma_wait3A_98 = tpu.memref_slice %arg2[%dma_wait3A_96, %dma_wait3A_97] : memref<10328x128xf32, #tpu.memory_space<hbm>> -> memref<10328x128xf32, #tpu.memory_space<hbm>>
        tpu.wait_indirect_dma semaphore(%arg9 : memref<!tpu.dma_semaphore, #tpu.memory_space<semaphore_mem>>) src(%dma_wait3A_98 : memref<10328x128xf32, #tpu.memory_space<hbm>>) dst(%arg6 : memref<128x128xf32, #tpu.memory_space<vmem>>)
        %add3A_99 = arith.constant 60 : i32
        %add3A_100 = arith.addi %add3A_99, %mul3A_92 : i32
        %dma_start3A_101 = arith.constant 0 : i32
        %dma_start3A_102 = tpu.memref_slice %arg5[%add3A_100, %dma_start3A_101] : memref<120x128xi32, #tpu.memory_space<vmem>> -> memref<1x128xi32, #tpu.memory_space<vmem>>
        %dma_start3A_103 = tpu.memref_squeeze %dma_start3A_102 : memref<1x128xi32, #tpu.memory_space<vmem>> -> memref<128xi32, #tpu.memory_space<vmem>>
        %dma_start3A_104 = arith.constant 0 : i32
        %dma_start3A_105 = arith.constant 0 : i32
        %dma_start3A_106 = tpu.memref_slice %arg8[%dma_start3A_104, %dma_start3A_105] : memref<10240x128xf32, #tpu.memory_space<vmem_shared>> -> memref<10240x128xf32, #tpu.memory_space<vmem_shared>>
        tpu.enqueue_indirect_dma source(%arg6 : memref<128x128xf32, #tpu.memory_space<vmem>>) target(%dma_start3A_106 : memref<10240x128xf32, #tpu.memory_space<vmem_shared>>) offsets(%dma_start3A_103 : memref<128xi32, #tpu.memory_space<vmem>>) semaphore(%arg11 : memref<!tpu.dma_semaphore, #tpu.memory_space<semaphore_mem>>) {add = true}
        %add3A_107 = arith.constant 1 : i32
        %add3A_108 = arith.addi %mul3A_92, %add3A_107 : i32
        %dma_wait3A_109 = arith.constant 0 : i32
        %dma_wait3A_110 = tpu.memref_slice %arg5[%add3A_108, %dma_wait3A_109] : memref<120x128xi32, #tpu.memory_space<vmem>> -> memref<1x128xi32, #tpu.memory_space<vmem>>
        %dma_wait3A_111 = tpu.memref_squeeze %dma_wait3A_110 : memref<1x128xi32, #tpu.memory_space<vmem>> -> memref<128xi32, #tpu.memory_space<vmem>>
        %dma_wait3A_112 = arith.constant 0 : i32
        %dma_wait3A_113 = arith.constant 0 : i32
        %dma_wait3A_114 = tpu.memref_slice %arg2[%dma_wait3A_112, %dma_wait3A_113] : memref<10328x128xf32, #tpu.memory_space<hbm>> -> memref<10328x128xf32, #tpu.memory_space<hbm>>
        tpu.wait_indirect_dma semaphore(%arg10 : memref<!tpu.dma_semaphore, #tpu.memory_space<semaphore_mem>>) src(%dma_wait3A_114 : memref<10328x128xf32, #tpu.memory_space<hbm>>) dst(%arg7 : memref<128x128xf32, #tpu.memory_space<vmem>>)
        %add3A_115 = arith.constant 1 : i32
        %add3A_116 = arith.addi %mul3A_92, %add3A_115 : i32
        %add3A_117 = arith.constant 60 : i32
        %add3A_118 = arith.addi %add3A_117, %add3A_116 : i32
        %dma_start3A_119 = arith.constant 0 : i32
        %dma_start3A_120 = tpu.memref_slice %arg5[%add3A_118, %dma_start3A_119] : memref<120x128xi32, #tpu.memory_space<vmem>> -> memref<1x128xi32, #tpu.memory_space<vmem>>
        %dma_start3A_121 = tpu.memref_squeeze %dma_start3A_120 : memref<1x128xi32, #tpu.memory_space<vmem>> -> memref<128xi32, #tpu.memory_space<vmem>>
        %dma_start3A_122 = arith.constant 0 : i32
        %dma_start3A_123 = arith.constant 0 : i32
        %dma_start3A_124 = tpu.memref_slice %arg8[%dma_start3A_122, %dma_start3A_123] : memref<10240x128xf32, #tpu.memory_space<vmem_shared>> -> memref<10240x128xf32, #tpu.memory_space<vmem_shared>>
        tpu.enqueue_indirect_dma source(%arg7 : memref<128x128xf32, #tpu.memory_space<vmem>>) target(%dma_start3A_124 : memref<10240x128xf32, #tpu.memory_space<vmem_shared>>) offsets(%dma_start3A_121 : memref<128xi32, #tpu.memory_space<vmem>>) semaphore(%arg12 : memref<!tpu.dma_semaphore, #tpu.memory_space<semaphore_mem>>) {add = true}
        %add3A_125 = arith.constant 60 : i32
        %add3A_126 = arith.addi %add3A_125, %mul3A_92 : i32
        %dma_wait3A_127 = arith.constant 0 : i32
        %dma_wait3A_128 = tpu.memref_slice %arg5[%add3A_126, %dma_wait3A_127] : memref<120x128xi32, #tpu.memory_space<vmem>> -> memref<1x128xi32, #tpu.memory_space<vmem>>
        %dma_wait3A_129 = tpu.memref_squeeze %dma_wait3A_128 : memref<1x128xi32, #tpu.memory_space<vmem>> -> memref<128xi32, #tpu.memory_space<vmem>>
        %dma_wait3A_130 = arith.constant 0 : i32
        %dma_wait3A_131 = arith.constant 0 : i32
        %dma_wait3A_132 = tpu.memref_slice %arg8[%dma_wait3A_130, %dma_wait3A_131] : memref<10240x128xf32, #tpu.memory_space<vmem_shared>> -> memref<10240x128xf32, #tpu.memory_space<vmem_shared>>
        tpu.wait_indirect_dma semaphore(%arg11 : memref<!tpu.dma_semaphore, #tpu.memory_space<semaphore_mem>>) src(%arg6 : memref<128x128xf32, #tpu.memory_space<vmem>>) dst(%dma_wait3A_132 : memref<10240x128xf32, #tpu.memory_space<vmem_shared>>)
        %add3A_133 = arith.constant 2 : i32
        %add3A_134 = arith.addi %mul3A_92, %add3A_133 : i32
        %dma_start3A_135 = arith.constant 0 : i32
        %dma_start3A_136 = tpu.memref_slice %arg5[%add3A_134, %dma_start3A_135] : memref<120x128xi32, #tpu.memory_space<vmem>> -> memref<1x128xi32, #tpu.memory_space<vmem>>
        %dma_start3A_137 = tpu.memref_squeeze %dma_start3A_136 : memref<1x128xi32, #tpu.memory_space<vmem>> -> memref<128xi32, #tpu.memory_space<vmem>>
        %dma_start3A_138 = arith.constant 0 : i32
        %dma_start3A_139 = arith.constant 0 : i32
        %dma_start3A_140 = tpu.memref_slice %arg2[%dma_start3A_138, %dma_start3A_139] : memref<10328x128xf32, #tpu.memory_space<hbm>> -> memref<10328x128xf32, #tpu.memory_space<hbm>>
        tpu.enqueue_indirect_dma source(%dma_start3A_140 : memref<10328x128xf32, #tpu.memory_space<hbm>>) target(%arg6 : memref<128x128xf32, #tpu.memory_space<vmem>>) offsets(%dma_start3A_137 : memref<128xi32, #tpu.memory_space<vmem>>) semaphore(%arg9 : memref<!tpu.dma_semaphore, #tpu.memory_space<semaphore_mem>>)
        %add3A_141 = arith.constant 1 : i32
        %add3A_142 = arith.addi %mul3A_92, %add3A_141 : i32
        %add3A_143 = arith.constant 60 : i32
        %add3A_144 = arith.addi %add3A_143, %add3A_142 : i32
        %dma_wait3A_145 = arith.constant 0 : i32
        %dma_wait3A_146 = tpu.memref_slice %arg5[%add3A_144, %dma_wait3A_145] : memref<120x128xi32, #tpu.memory_space<vmem>> -> memref<1x128xi32, #tpu.memory_space<vmem>>
        %dma_wait3A_147 = tpu.memref_squeeze %dma_wait3A_146 : memref<1x128xi32, #tpu.memory_space<vmem>> -> memref<128xi32, #tpu.memory_space<vmem>>
        %dma_wait3A_148 = arith.constant 0 : i32
        %dma_wait3A_149 = arith.constant 0 : i32
        %dma_wait3A_150 = tpu.memref_slice %arg8[%dma_wait3A_148, %dma_wait3A_149] : memref<10240x128xf32, #tpu.memory_space<vmem_shared>> -> memref<10240x128xf32, #tpu.memory_space<vmem_shared>>
        tpu.wait_indirect_dma semaphore(%arg12 : memref<!tpu.dma_semaphore, #tpu.memory_space<semaphore_mem>>) src(%arg7 : memref<128x128xf32, #tpu.memory_space<vmem>>) dst(%dma_wait3A_150 : memref<10240x128xf32, #tpu.memory_space<vmem_shared>>)
        %add3A_151 = arith.constant 3 : i32
        %add3A_152 = arith.addi %mul3A_92, %add3A_151 : i32
        %dma_start3A_153 = arith.constant 0 : i32
        %dma_start3A_154 = tpu.memref_slice %arg5[%add3A_152, %dma_start3A_153] : memref<120x128xi32, #tpu.memory_space<vmem>> -> memref<1x128xi32, #tpu.memory_space<vmem>>
        %dma_start3A_155 = tpu.memref_squeeze %dma_start3A_154 : memref<1x128xi32, #tpu.memory_space<vmem>> -> memref<128xi32, #tpu.memory_space<vmem>>
        %dma_start3A_156 = arith.constant 0 : i32
        %dma_start3A_157 = arith.constant 0 : i32
        %dma_start3A_158 = tpu.memref_slice %arg2[%dma_start3A_156, %dma_start3A_157] : memref<10328x128xf32, #tpu.memory_space<hbm>> -> memref<10328x128xf32, #tpu.memory_space<hbm>>
        tpu.enqueue_indirect_dma source(%dma_start3A_158 : memref<10328x128xf32, #tpu.memory_space<hbm>>) target(%arg7 : memref<128x128xf32, #tpu.memory_space<vmem>>) offsets(%dma_start3A_155 : memref<128xi32, #tpu.memory_space<vmem>>) semaphore(%arg10 : memref<!tpu.dma_semaphore, #tpu.memory_space<semaphore_mem>>)
        %scan3A_159 = arith.constant 0 : i32
        scf.yield %scan3A_159 : i32
      }
      %scan3A_46 = arith.constant 29 : i32
      %dma_wait3A = arith.constant 58 : i32
      %dma_wait3A_47 = arith.constant 0 : i32
      %dma_wait3A_48 = tpu.memref_slice %arg5[%dma_wait3A, %dma_wait3A_47] : memref<120x128xi32, #tpu.memory_space<vmem>> -> memref<1x128xi32, #tpu.memory_space<vmem>>
      %dma_wait3A_49 = tpu.memref_squeeze %dma_wait3A_48 : memref<1x128xi32, #tpu.memory_space<vmem>> -> memref<128xi32, #tpu.memory_space<vmem>>
      %dma_wait3A_50 = arith.constant 0 : i32
      %dma_wait3A_51 = arith.constant 0 : i32
      %dma_wait3A_52 = tpu.memref_slice %arg2[%dma_wait3A_50, %dma_wait3A_51] : memref<10328x128xf32, #tpu.memory_space<hbm>> -> memref<10328x128xf32, #tpu.memory_space<hbm>>
      tpu.wait_indirect_dma semaphore(%arg9 : memref<!tpu.dma_semaphore, #tpu.memory_space<semaphore_mem>>) src(%dma_wait3A_52 : memref<10328x128xf32, #tpu.memory_space<hbm>>) dst(%arg6 : memref<128x128xf32, #tpu.memory_space<vmem>>)
      %dma_start3A_53 = arith.constant 118 : i32
      %dma_start3A_54 = arith.constant 0 : i32
      %dma_start3A_55 = tpu.memref_slice %arg5[%dma_start3A_53, %dma_start3A_54] : memref<120x128xi32, #tpu.memory_space<vmem>> -> memref<1x128xi32, #tpu.memory_space<vmem>>
      %dma_start3A_56 = tpu.memref_squeeze %dma_start3A_55 : memref<1x128xi32, #tpu.memory_space<vmem>> -> memref<128xi32, #tpu.memory_space<vmem>>
      %dma_start3A_57 = arith.constant 0 : i32
      %dma_start3A_58 = arith.constant 0 : i32
      %dma_start3A_59 = tpu.memref_slice %arg8[%dma_start3A_57, %dma_start3A_58] : memref<10240x128xf32, #tpu.memory_space<vmem_shared>> -> memref<10240x128xf32, #tpu.memory_space<vmem_shared>>
      tpu.enqueue_indirect_dma source(%arg6 : memref<128x128xf32, #tpu.memory_space<vmem>>) target(%dma_start3A_59 : memref<10240x128xf32, #tpu.memory_space<vmem_shared>>) offsets(%dma_start3A_56 : memref<128xi32, #tpu.memory_space<vmem>>) semaphore(%arg11 : memref<!tpu.dma_semaphore, #tpu.memory_space<semaphore_mem>>) {add = true}
      %dma_wait3A_60 = arith.constant 59 : i32
      %dma_wait3A_61 = arith.constant 0 : i32
      %dma_wait3A_62 = tpu.memref_slice %arg5[%dma_wait3A_60, %dma_wait3A_61] : memref<120x128xi32, #tpu.memory_space<vmem>> -> memref<1x128xi32, #tpu.memory_space<vmem>>
      %dma_wait3A_63 = tpu.memref_squeeze %dma_wait3A_62 : memref<1x128xi32, #tpu.memory_space<vmem>> -> memref<128xi32, #tpu.memory_space<vmem>>
      %dma_wait3A_64 = arith.constant 0 : i32
      %dma_wait3A_65 = arith.constant 0 : i32
      %dma_wait3A_66 = tpu.memref_slice %arg2[%dma_wait3A_64, %dma_wait3A_65] : memref<10328x128xf32, #tpu.memory_space<hbm>> -> memref<10328x128xf32, #tpu.memory_space<hbm>>
      tpu.wait_indirect_dma semaphore(%arg10 : memref<!tpu.dma_semaphore, #tpu.memory_space<semaphore_mem>>) src(%dma_wait3A_66 : memref<10328x128xf32, #tpu.memory_space<hbm>>) dst(%arg7 : memref<128x128xf32, #tpu.memory_space<vmem>>)
      %dma_start3A_67 = arith.constant 119 : i32
      %dma_start3A_68 = arith.constant 0 : i32
      %dma_start3A_69 = tpu.memref_slice %arg5[%dma_start3A_67, %dma_start3A_68] : memref<120x128xi32, #tpu.memory_space<vmem>> -> memref<1x128xi32, #tpu.memory_space<vmem>>
      %dma_start3A_70 = tpu.memref_squeeze %dma_start3A_69 : memref<1x128xi32, #tpu.memory_space<vmem>> -> memref<128xi32, #tpu.memory_space<vmem>>
      %dma_start3A_71 = arith.constant 0 : i32
      %dma_start3A_72 = arith.constant 0 : i32
      %dma_start3A_73 = tpu.memref_slice %arg8[%dma_start3A_71, %dma_start3A_72] : memref<10240x128xf32, #tpu.memory_space<vmem_shared>> -> memref<10240x128xf32, #tpu.memory_space<vmem_shared>>
      tpu.enqueue_indirect_dma source(%arg7 : memref<128x128xf32, #tpu.memory_space<vmem>>) target(%dma_start3A_73 : memref<10240x128xf32, #tpu.memory_space<vmem_shared>>) offsets(%dma_start3A_70 : memref<128xi32, #tpu.memory_space<vmem>>) semaphore(%arg12 : memref<!tpu.dma_semaphore, #tpu.memory_space<semaphore_mem>>) {add = true}
      %dma_wait3A_74 = arith.constant 118 : i32
      %dma_wait3A_75 = arith.constant 0 : i32
      %dma_wait3A_76 = tpu.memref_slice %arg5[%dma_wait3A_74, %dma_wait3A_75] : memref<120x128xi32, #tpu.memory_space<vmem>> -> memref<1x128xi32, #tpu.memory_space<vmem>>
      %dma_wait3A_77 = tpu.memref_squeeze %dma_wait3A_76 : memref<1x128xi32, #tpu.memory_space<vmem>> -> memref<128xi32, #tpu.memory_space<vmem>>
      %dma_wait3A_78 = arith.constant 0 : i32
      %dma_wait3A_79 = arith.constant 0 : i32
      %dma_wait3A_80 = tpu.memref_slice %arg8[%dma_wait3A_78, %dma_wait3A_79] : memref<10240x128xf32, #tpu.memory_space<vmem_shared>> -> memref<10240x128xf32, #tpu.memory_space<vmem_shared>>
      tpu.wait_indirect_dma semaphore(%arg11 : memref<!tpu.dma_semaphore, #tpu.memory_space<semaphore_mem>>) src(%arg6 : memref<128x128xf32, #tpu.memory_space<vmem>>) dst(%dma_wait3A_80 : memref<10240x128xf32, #tpu.memory_space<vmem_shared>>)
      %dma_wait3A_81 = arith.constant 119 : i32
      %dma_wait3A_82 = arith.constant 0 : i32
      %dma_wait3A_83 = tpu.memref_slice %arg5[%dma_wait3A_81, %dma_wait3A_82] : memref<120x128xi32, #tpu.memory_space<vmem>> -> memref<1x128xi32, #tpu.memory_space<vmem>>
      %dma_wait3A_84 = tpu.memref_squeeze %dma_wait3A_83 : memref<1x128xi32, #tpu.memory_space<vmem>> -> memref<128xi32, #tpu.memory_space<vmem>>
      %dma_wait3A_85 = arith.constant 0 : i32
      %dma_wait3A_86 = arith.constant 0 : i32
      %dma_wait3A_87 = tpu.memref_slice %arg8[%dma_wait3A_85, %dma_wait3A_86] : memref<10240x128xf32, #tpu.memory_space<vmem_shared>> -> memref<10240x128xf32, #tpu.memory_space<vmem_shared>>
      tpu.wait_indirect_dma semaphore(%arg12 : memref<!tpu.dma_semaphore, #tpu.memory_space<semaphore_mem>>) src(%arg7 : memref<128x128xf32, #tpu.memory_space<vmem>>) dst(%dma_wait3A_87 : memref<10240x128xf32, #tpu.memory_space<vmem_shared>>)
      %scan3A_88 = arith.constant 0 : i32
      scf.yield %scan3A_88 : i32
    }
    %scan3A_21 = arith.constant 8 : i32
    %barrier3A_22 = arith.constant 0 : index
    tpu.barrier barrier_id(%barrier3A_22)
    "tpu.region"() ({
      %run_scoped3A = tpu.sem_alloc : memref<!tpu.dma_semaphore, #tpu.memory_space<semaphore_mem>>
      %dma_start3A = arith.constant 0 : i32
      %dma_start3A_23 = tpu.memref_slice %arg4[%mul3A_7, %dma_start3A] : memref<10240x128xf32, #tpu.memory_space<hbm>> -> memref<640x128xf32, #tpu.memory_space<hbm>>
      %dma_start3A_24 = arith.constant 0 : i32
      %dma_start3A_25 = tpu.memref_slice %arg8[%mul3A_7, %dma_start3A_24] : memref<10240x128xf32, #tpu.memory_space<vmem_shared>> -> memref<640x128xf32, #tpu.memory_space<vmem_shared>>
      tpu.enqueue_dma source(%dma_start3A_25 : memref<640x128xf32, #tpu.memory_space<vmem_shared>>) target(%dma_start3A_23 : memref<640x128xf32, #tpu.memory_space<hbm>>) target_semaphore(%run_scoped3A : memref<!tpu.dma_semaphore, #tpu.memory_space<semaphore_mem>>)
      %dma_wait3A = arith.constant 0 : i32
      %dma_wait3A_26 = tpu.memref_slice %arg4[%mul3A_7, %dma_wait3A] : memref<10240x128xf32, #tpu.memory_space<hbm>> -> memref<640x128xf32, #tpu.memory_space<hbm>>
      %dma_wait3A_27 = arith.constant 0 : i32
      %dma_wait3A_28 = tpu.memref_slice %arg8[%mul3A_7, %dma_wait3A_27] : memref<10240x128xf32, #tpu.memory_space<vmem_shared>> -> memref<640x128xf32, #tpu.memory_space<vmem_shared>>
      tpu.wait_dma2 semaphore(%run_scoped3A : memref<!tpu.dma_semaphore, #tpu.memory_space<semaphore_mem>>) src(%dma_wait3A_28 : memref<640x128xf32, #tpu.memory_space<vmem_shared>>) dst(%dma_wait3A_26 : memref<640x128xf32, #tpu.memory_space<hbm>>)
      tpu.yield
    }) : () -> ()
    return
  }
}

module attributes {stable_mosaic.version = 14 : i64} {
  func.func @_tc_pre_body(%arg0: i32, %arg1: memref<1000x128xf32, #tpu.memory_space<vmem>>, %arg2: memref<200x128xf32, #tpu.memory_space<vmem>>, %arg3: memref<128x128xf32, #tpu.memory_space<vmem>>, %arg4: memref<1000x128xf32, #tpu.memory_space<vmem>>, %arg5: memref<1000x128xf32, #tpu.memory_space<vmem>>, %arg6: memref<200x128xf32, #tpu.memory_space<vmem>>) attributes {dimension_semantics = [#tpu.dimension_semantics<arbitrary>], iteration_bounds = array<i64: 10>, scalar_prefetch = 0 : i64, scratch_operands = 0 : i64, tpu.core_type = #tpu.core_type<tc>, window_params = [{transform_indices = @transform_0, window_bounds = array<i64: 1000, 128>}, {pipeline_mode = #tpu.pipeline_mode<synchronous>, transform_indices = @transform_1, window_bounds = array<i64: 200, 128>}, {pipeline_mode = #tpu.pipeline_mode<synchronous>, transform_indices = @transform_2, window_bounds = array<i64: 128, 128>}, {transform_indices = @transform_3, window_bounds = array<i64: 1000, 128>}, {transform_indices = @transform_4, window_bounds = array<i64: 1000, 128>}, {pipeline_mode = #tpu.pipeline_mode<synchronous>, transform_indices = @transform_5, window_bounds = array<i64: 200, 128>}]} {
    %get3A = arith.constant 0 : index
    %get3A_0 = arith.constant 0 : index
    %get3A_1 = vector.load %arg1[%get3A, %get3A_0] : memref<1000x128xf32, #tpu.memory_space<vmem>>, vector<1000x128xf32>
    %mul3A = arith.mulf %get3A_1, %get3A_1 : vector<1000x128xf32>
    %reduce_sum3A = arith.constant dense<0.000000e+00> : vector<1000xf32>
    %reduce_sum3A_2 = vector.multi_reduction <add>, %mul3A, %reduce_sum3A [1] : vector<1000x128xf32> to vector<1000xf32>
    %broadcast_in_dim3A = vector.shape_cast %reduce_sum3A_2 : vector<1000xf32> to vector<1000x1xf32>
    %sqrt3A = math.sqrt %broadcast_in_dim3A : vector<1000x1xf32>
    %max3A = arith.constant 9.99999996E-13 : f32
    %max3A_3 = vector.broadcast %max3A : f32 to vector<1000x1xf32>
    %max3A_4 = arith.maximumf %sqrt3A, %max3A_3 : vector<1000x1xf32>
    %div3A = vector.broadcast %max3A_4 : vector<1000x1xf32> to vector<1000x128xf32>
    %div3A_5 = arith.divf %get3A_1, %div3A : vector<1000x128xf32>
    %swap3A = arith.constant 0 : index
    %swap3A_6 = arith.constant 0 : index
    %swap3A_7 = vector.load %arg4[%swap3A, %swap3A_6] : memref<1000x128xf32, #tpu.memory_space<vmem>>, vector<1000x128xf32>
    tpu.vector_store %arg4[%swap3A, %swap3A_6], %div3A_5 {strides = array<i32>} : memref<1000x128xf32, #tpu.memory_space<vmem>>, vector<1000x128xf32>,
    %get3A_8 = arith.constant 0 : index
    %get3A_9 = arith.constant 0 : index
    %get3A_10 = vector.load %arg3[%get3A_8, %get3A_9] : memref<128x128xf32, #tpu.memory_space<vmem>>, vector<128x128xf32>
    %dot_general3A = arith.constant dense<0.000000e+00> : vector<1000x128xf32>
    %dot_general3A_11 = tpu.matmul %div3A_5, %get3A_10, %dot_general3A {dimension_numbers = #tpu.dot_dimension_numbers<[1], [0], [0], [1], [0, 0, 1, 1], [], []>, transpose_lhs_hint = false} : vector<1000x128xf32>, vector<128x128xf32>, vector<1000x128xf32> -> vector<1000x128xf32>
    %swap3A_12 = arith.constant 0 : index
    %swap3A_13 = arith.constant 0 : index
    %swap3A_14 = vector.load %arg5[%swap3A_12, %swap3A_13] : memref<1000x128xf32, #tpu.memory_space<vmem>>, vector<1000x128xf32>
    tpu.vector_store %arg5[%swap3A_12, %swap3A_13], %dot_general3A_11 {strides = array<i32>} : memref<1000x128xf32, #tpu.memory_space<vmem>>, vector<1000x128xf32>,
    %eq3A = arith.constant 0 : i32
    %eq3A_15 = arith.cmpi eq, %arg0, %eq3A : i32
    %convert_element_type3A = arith.extui %eq3A_15 : i1 to i32
    %cond3A = arith.constant 0 : i32
    %cond3A_16 = arith.cmpi ne, %convert_element_type3A, %cond3A : i32
    scf.if %cond3A_16 {
      %get3A_17 = arith.constant 0 : index
      %get3A_18 = arith.constant 0 : index
      %get3A_19 = vector.load %arg2[%get3A_17, %get3A_18] : memref<200x128xf32, #tpu.memory_space<vmem>>, vector<200x128xf32>
      %mul3A_20 = arith.mulf %get3A_19, %get3A_19 : vector<200x128xf32>
      %reduce_sum3A_21 = arith.constant dense<0.000000e+00> : vector<200xf32>
      %reduce_sum3A_22 = vector.multi_reduction <add>, %mul3A_20, %reduce_sum3A_21 [1] : vector<200x128xf32> to vector<200xf32>
      %broadcast_in_dim3A_23 = vector.shape_cast %reduce_sum3A_22 : vector<200xf32> to vector<200x1xf32>
      %sqrt3A_24 = math.sqrt %broadcast_in_dim3A_23 : vector<200x1xf32>
      %max3A_25 = arith.constant 9.99999996E-13 : f32
      %max3A_26 = vector.broadcast %max3A_25 : f32 to vector<200x1xf32>
      %max3A_27 = arith.maximumf %sqrt3A_24, %max3A_26 : vector<200x1xf32>
      %div3A_28 = vector.broadcast %max3A_27 : vector<200x1xf32> to vector<200x128xf32>
      %div3A_29 = arith.divf %get3A_19, %div3A_28 : vector<200x128xf32>
      %get3A_30 = arith.constant 0 : index
      %get3A_31 = arith.constant 0 : index
      %get3A_32 = vector.load %arg3[%get3A_30, %get3A_31] : memref<128x128xf32, #tpu.memory_space<vmem>>, vector<128x128xf32>
      %dot_general3A_33 = arith.constant dense<0.000000e+00> : vector<200x128xf32>
      %dot_general3A_34 = tpu.matmul %div3A_29, %get3A_32, %dot_general3A_33 {dimension_numbers = #tpu.dot_dimension_numbers<[1], [0], [0], [1], [0, 0, 1, 1], [], []>, transpose_lhs_hint = false} : vector<200x128xf32>, vector<128x128xf32>, vector<200x128xf32> -> vector<200x128xf32>
      %swap3A_35 = arith.constant 0 : index
      %swap3A_36 = arith.constant 0 : index
      %swap3A_37 = vector.load %arg6[%swap3A_35, %swap3A_36] : memref<200x128xf32, #tpu.memory_space<vmem>>, vector<200x128xf32>
      tpu.vector_store %arg6[%swap3A_35, %swap3A_36], %dot_general3A_34 {strides = array<i32>} : memref<200x128xf32, #tpu.memory_space<vmem>>, vector<200x128xf32>,
    } else {
    }
    return
  }
  func.func @transform_0(%arg0: i32) -> (i32, i32) {
    %c0_i32 = arith.constant 0 : i32
    %c0_i32_0 = arith.constant 0 : i32
    return %arg0, %c0_i32 : i32, i32
  }
  func.func @transform_1(%arg0: i32) -> (i32, i32) {
    %c0_i32 = arith.constant 0 : i32
    %c0_i32_0 = arith.constant 0 : i32
    %c0_i32_1 = arith.constant 0 : i32
    return %c0_i32, %c0_i32_0 : i32, i32
  }
  func.func @transform_2(%arg0: i32) -> (i32, i32) {
    %c0_i32 = arith.constant 0 : i32
    %c0_i32_0 = arith.constant 0 : i32
    %c0_i32_1 = arith.constant 0 : i32
    return %c0_i32, %c0_i32_0 : i32, i32
  }
  func.func @transform_3(%arg0: i32) -> (i32, i32) {
    %c0_i32 = arith.constant 0 : i32
    %c0_i32_0 = arith.constant 0 : i32
    return %arg0, %c0_i32 : i32, i32
  }
  func.func @transform_4(%arg0: i32) -> (i32, i32) {
    %c0_i32 = arith.constant 0 : i32
    %c0_i32_0 = arith.constant 0 : i32
    return %arg0, %c0_i32 : i32, i32
  }
  func.func @transform_5(%arg0: i32) -> (i32, i32) {
    %c0_i32 = arith.constant 0 : i32
    %c0_i32_0 = arith.constant 0 : i32
    %c0_i32_1 = arith.constant 0 : i32
    return %c0_i32, %c0_i32_0 : i32, i32
  }
}

module attributes {stable_mosaic.version = 14 : i64} {
  func.func @_tc_post_body(%arg0: i32, %arg1: memref<1000x128xf32, #tpu.memory_space<vmem>>, %arg2: memref<1000x128xf32, #tpu.memory_space<vmem>>, %arg3: memref<1000x1xf32, #tpu.memory_space<vmem>>, %arg4: memref<128x128xf32, #tpu.memory_space<vmem>>, %arg5: memref<128x384xf32, #tpu.memory_space<vmem>>, %arg6: memref<128x384xf32, #tpu.memory_space<vmem>>, %arg7: memref<1x384xf32, #tpu.memory_space<vmem>>, %arg8: memref<1x384xf32, #tpu.memory_space<vmem>>, %arg9: memref<128x128xf32, #tpu.memory_space<vmem>>, %arg10: memref<1x128xf32, #tpu.memory_space<vmem>>, %arg11: memref<1000x128xf32, #tpu.memory_space<vmem>>) attributes {dimension_semantics = [#tpu.dimension_semantics<arbitrary>], iteration_bounds = array<i64: 10>, scalar_prefetch = 0 : i64, scratch_operands = 0 : i64, tpu.core_type = #tpu.core_type<tc>, window_params = [{transform_indices = @transform_0, window_bounds = array<i64: 1000, 128>}, {transform_indices = @transform_1, window_bounds = array<i64: 1000, 128>}, {transform_indices = @transform_2, window_bounds = array<i64: 1000, 1>}, {pipeline_mode = #tpu.pipeline_mode<synchronous>, transform_indices = @transform_3, window_bounds = array<i64: 128, 128>}, {pipeline_mode = #tpu.pipeline_mode<synchronous>, transform_indices = @transform_4, window_bounds = array<i64: 128, 384>}, {pipeline_mode = #tpu.pipeline_mode<synchronous>, transform_indices = @transform_5, window_bounds = array<i64: 128, 384>}, {pipeline_mode = #tpu.pipeline_mode<synchronous>, transform_indices = @transform_6, window_bounds = array<i64: 1, 384>}, {pipeline_mode = #tpu.pipeline_mode<synchronous>, transform_indices = @transform_7, window_bounds = array<i64: 1, 384>}, {pipeline_mode = #tpu.pipeline_mode<synchronous>, transform_indices = @transform_8, window_bounds = array<i64: 128, 128>}, {pipeline_mode = #tpu.pipeline_mode<synchronous>, transform_indices = @transform_9, window_bounds = array<i64: 1, 128>}, {transform_indices = @transform_10, window_bounds = array<i64: 1000, 128>}]} {
    %get3A = arith.constant 0 : index
    %get3A_0 = arith.constant 0 : index
    %get3A_1 = vector.load %arg1[%get3A, %get3A_0] : memref<1000x128xf32, #tpu.memory_space<vmem>>, vector<1000x128xf32>
    %get3A_2 = arith.constant 0 : index
    %get3A_3 = arith.constant 0 : index
    %get3A_4 = vector.load %arg3[%get3A_2, %get3A_3] : memref<1000x1xf32, #tpu.memory_space<vmem>>, vector<1000x1xf32>
    %squeeze3A = vector.shape_cast %get3A_4 : vector<1000x1xf32> to vector<1000xf32>
    %get3A_5 = arith.constant 0 : index
    %get3A_6 = arith.constant 0 : index
    %get3A_7 = vector.load %arg2[%get3A_5, %get3A_6] : memref<1000x128xf32, #tpu.memory_space<vmem>>, vector<1000x128xf32>
    %max3A = arith.constant 1.000000e+00 : f32
    %max3A_8 = vector.broadcast %max3A : f32 to vector<1000xf32>
    %max3A_9 = arith.maximumf %squeeze3A, %max3A_8 : vector<1000xf32>
    %broadcast_in_dim3A = vector.shape_cast %max3A_9 : vector<1000xf32> to vector<1000x1xf32>
    %div3A = vector.broadcast %broadcast_in_dim3A : vector<1000x1xf32> to vector<1000x128xf32>
    %div3A_10 = arith.divf %get3A_7, %div3A : vector<1000x128xf32>
    %get3A_11 = arith.constant 0 : index
    %get3A_12 = arith.constant 0 : index
    %get3A_13 = vector.load %arg4[%get3A_11, %get3A_12] : memref<128x128xf32, #tpu.memory_space<vmem>>, vector<128x128xf32>
    %dot_general3A = arith.constant dense<0.000000e+00> : vector<1000x128xf32>
    %dot_general3A_14 = tpu.matmul %get3A_1, %get3A_13, %dot_general3A {dimension_numbers = #tpu.dot_dimension_numbers<[1], [0], [0], [1], [0, 0, 1, 1], [], []>, transpose_lhs_hint = false} : vector<1000x128xf32>, vector<128x128xf32>, vector<1000x128xf32> -> vector<1000x128xf32>
    %add3A = arith.addf %div3A_10, %dot_general3A_14 : vector<1000x128xf32>
    %ge3A = arith.constant 0.000000e+00 : f32
    %ge3A_15 = vector.broadcast %ge3A : f32 to vector<1000x128xf32>
    %ge3A_16 = arith.cmpf oge, %add3A, %ge3A_15 : vector<1000x128xf32>
    %mul3A = arith.constant 0.229166672 : f32
    %mul3A_17 = vector.broadcast %mul3A : f32 to vector<1000x128xf32>
    %mul3A_18 = arith.mulf %mul3A_17, %add3A : vector<1000x128xf32>
    %select_n3A = arith.select %ge3A_16, %add3A, %mul3A_18 : vector<1000x128xi1>, vector<1000x128xf32>
    %get3A_19 = arith.constant 0 : index
    %get3A_20 = arith.constant 0 : index
    %get3A_21 = vector.load %arg5[%get3A_19, %get3A_20] : memref<128x384xf32, #tpu.memory_space<vmem>>, vector<128x384xf32>
    %dot_general3A_22 = arith.constant dense<0.000000e+00> : vector<1000x384xf32>
    %dot_general3A_23 = tpu.matmul %select_n3A, %get3A_21, %dot_general3A_22 {dimension_numbers = #tpu.dot_dimension_numbers<[1], [0], [0], [1], [0, 0, 1, 1], [], []>, transpose_lhs_hint = false} : vector<1000x128xf32>, vector<128x384xf32>, vector<1000x384xf32> -> vector<1000x384xf32>
    %get3A_24 = arith.constant 0 : index
    %get3A_25 = arith.constant 0 : index
    %get3A_26 = vector.load %arg7[%get3A_24, %get3A_25] : memref<1x384xf32, #tpu.memory_space<vmem>>, vector<1x384xf32>
    %add3A_27 = vector.broadcast %get3A_26 : vector<1x384xf32> to vector<1000x384xf32>
    %add3A_28 = arith.addf %dot_general3A_23, %add3A_27 : vector<1000x384xf32>
    %get3A_29 = arith.constant 0 : index
    %get3A_30 = arith.constant 0 : index
    %get3A_31 = vector.load %arg6[%get3A_29, %get3A_30] : memref<128x384xf32, #tpu.memory_space<vmem>>, vector<128x384xf32>
    %dot_general3A_32 = arith.constant dense<0.000000e+00> : vector<1000x384xf32>
    %dot_general3A_33 = tpu.matmul %get3A_1, %get3A_31, %dot_general3A_32 {dimension_numbers = #tpu.dot_dimension_numbers<[1], [0], [0], [1], [0, 0, 1, 1], [], []>, transpose_lhs_hint = false} : vector<1000x128xf32>, vector<128x384xf32>, vector<1000x384xf32> -> vector<1000x384xf32>
    %get3A_34 = arith.constant 0 : index
    %get3A_35 = arith.constant 0 : index
    %get3A_36 = vector.load %arg8[%get3A_34, %get3A_35] : memref<1x384xf32, #tpu.memory_space<vmem>>, vector<1x384xf32>
    %add3A_37 = vector.broadcast %get3A_36 : vector<1x384xf32> to vector<1000x384xf32>
    %add3A_38 = arith.addf %dot_general3A_33, %add3A_37 : vector<1000x384xf32>
    %slice3A = vector.extract_strided_slice %add3A_28 {offsets = [0, 0], sizes = [1000, 128], strides = [1, 1]} : vector<1000x384xf32> to vector<1000x128xf32>
    %slice3A_39 = vector.extract_strided_slice %add3A_28 {offsets = [0, 128], sizes = [1000, 128], strides = [1, 1]} : vector<1000x384xf32> to vector<1000x128xf32>
    %slice3A_40 = vector.extract_strided_slice %add3A_28 {offsets = [0, 256], sizes = [1000, 128], strides = [1, 1]} : vector<1000x384xf32> to vector<1000x128xf32>
    %slice3A_41 = vector.extract_strided_slice %add3A_38 {offsets = [0, 0], sizes = [1000, 128], strides = [1, 1]} : vector<1000x384xf32> to vector<1000x128xf32>
    %slice3A_42 = vector.extract_strided_slice %add3A_38 {offsets = [0, 128], sizes = [1000, 128], strides = [1, 1]} : vector<1000x384xf32> to vector<1000x128xf32>
    %slice3A_43 = vector.extract_strided_slice %add3A_38 {offsets = [0, 256], sizes = [1000, 128], strides = [1, 1]} : vector<1000x384xf32> to vector<1000x128xf32>
    %add3A_44 = arith.addf %slice3A, %slice3A_41 : vector<1000x128xf32>
    %logistic3A = arith.negf %add3A_44 : vector<1000x128xf32>
    %logistic3A_45 = math.exp %logistic3A : vector<1000x128xf32>
    %logistic3A_46 = arith.constant 1.000000e+00 : f32
    %logistic3A_47 = vector.broadcast %logistic3A_46 : f32 to vector<1000x128xf32>
    %logistic3A_48 = arith.addf %logistic3A_47, %logistic3A_45 : vector<1000x128xf32>
    %logistic3A_49 = arith.divf %logistic3A_47, %logistic3A_48 : vector<1000x128xf32>
    %add3A_50 = arith.addf %slice3A_39, %slice3A_42 : vector<1000x128xf32>
    %logistic3A_51 = arith.negf %add3A_50 : vector<1000x128xf32>
    %logistic3A_52 = math.exp %logistic3A_51 : vector<1000x128xf32>
    %logistic3A_53 = arith.constant 1.000000e+00 : f32
    %logistic3A_54 = vector.broadcast %logistic3A_53 : f32 to vector<1000x128xf32>
    %logistic3A_55 = arith.addf %logistic3A_54, %logistic3A_52 : vector<1000x128xf32>
    %logistic3A_56 = arith.divf %logistic3A_54, %logistic3A_55 : vector<1000x128xf32>
    %mul3A_57 = arith.mulf %logistic3A_49, %slice3A_43 : vector<1000x128xf32>
    %add3A_58 = arith.addf %slice3A_40, %mul3A_57 : vector<1000x128xf32>
    %tanh3A = math.tanh %add3A_58 : vector<1000x128xf32>
    %sub3A = arith.constant 1.000000e+00 : f32
    %sub3A_59 = vector.broadcast %sub3A : f32 to vector<1000x128xf32>
    %sub3A_60 = arith.subf %sub3A_59, %logistic3A_56 : vector<1000x128xf32>
    %mul3A_61 = arith.mulf %sub3A_60, %tanh3A : vector<1000x128xf32>
    %mul3A_62 = arith.mulf %logistic3A_56, %get3A_1 : vector<1000x128xf32>
    %add3A_63 = arith.addf %mul3A_61, %mul3A_62 : vector<1000x128xf32>
    %get3A_64 = arith.constant 0 : index
    %get3A_65 = arith.constant 0 : index
    %get3A_66 = vector.load %arg9[%get3A_64, %get3A_65] : memref<128x128xf32, #tpu.memory_space<vmem>>, vector<128x128xf32>
    %dot_general3A_67 = arith.constant dense<0.000000e+00> : vector<1000x128xf32>
    %dot_general3A_68 = tpu.matmul %get3A_1, %get3A_66, %dot_general3A_67 {dimension_numbers = #tpu.dot_dimension_numbers<[1], [0], [0], [1], [0, 0, 1, 1], [], []>, transpose_lhs_hint = false} : vector<1000x128xf32>, vector<128x128xf32>, vector<1000x128xf32> -> vector<1000x128xf32>
    %get3A_69 = arith.constant 0 : index
    %get3A_70 = arith.constant 0 : index
    %get3A_71 = vector.load %arg10[%get3A_69, %get3A_70] : memref<1x128xf32, #tpu.memory_space<vmem>>, vector<1x128xf32>
    %add3A_72 = vector.broadcast %get3A_71 : vector<1x128xf32> to vector<1000x128xf32>
    %add3A_73 = arith.addf %dot_general3A_68, %add3A_72 : vector<1000x128xf32>
    %logistic3A_74 = arith.negf %add3A_73 : vector<1000x128xf32>
    %logistic3A_75 = math.exp %logistic3A_74 : vector<1000x128xf32>
    %logistic3A_76 = arith.constant 1.000000e+00 : f32
    %logistic3A_77 = vector.broadcast %logistic3A_76 : f32 to vector<1000x128xf32>
    %logistic3A_78 = arith.addf %logistic3A_77, %logistic3A_75 : vector<1000x128xf32>
    %logistic3A_79 = arith.divf %logistic3A_77, %logistic3A_78 : vector<1000x128xf32>
    %mul3A_80 = arith.mulf %logistic3A_79, %add3A_63 : vector<1000x128xf32>
    %sub3A_81 = arith.constant 1.000000e+00 : f32
    %sub3A_82 = vector.broadcast %sub3A_81 : f32 to vector<1000x128xf32>
    %sub3A_83 = arith.subf %sub3A_82, %logistic3A_79 : vector<1000x128xf32>
    %mul3A_84 = arith.mulf %sub3A_83, %get3A_1 : vector<1000x128xf32>
    %add3A_85 = arith.addf %mul3A_80, %mul3A_84 : vector<1000x128xf32>
    %swap3A = arith.constant 0 : index
    %swap3A_86 = arith.constant 0 : index
    %swap3A_87 = vector.load %arg11[%swap3A, %swap3A_86] : memref<1000x128xf32, #tpu.memory_space<vmem>>, vector<1000x128xf32>
    tpu.vector_store %arg11[%swap3A, %swap3A_86], %add3A_85 {strides = array<i32>} : memref<1000x128xf32, #tpu.memory_space<vmem>>, vector<1000x128xf32>,
    return
  }
  func.func @transform_0(%arg0: i32) -> (i32, i32) {
    %c0_i32 = arith.constant 0 : i32
    %c0_i32_0 = arith.constant 0 : i32
    return %arg0, %c0_i32 : i32, i32
  }
  func.func @transform_1(%arg0: i32) -> (i32, i32) {
    %c0_i32 = arith.constant 0 : i32
    %c0_i32_0 = arith.constant 0 : i32
    return %arg0, %c0_i32 : i32, i32
  }
  func.func @transform_2(%arg0: i32) -> (i32, i32) {
    %c0_i32 = arith.constant 0 : i32
    %c0_i32_0 = arith.constant 0 : i32
    return %arg0, %c0_i32 : i32, i32
  }
  func.func @transform_3(%arg0: i32) -> (i32, i32) {
    %c0_i32 = arith.constant 0 : i32
    %c0_i32_0 = arith.constant 0 : i32
    %c0_i32_1 = arith.constant 0 : i32
    return %c0_i32, %c0_i32_0 : i32, i32
  }
  func.func @transform_4(%arg0: i32) -> (i32, i32) {
    %c0_i32 = arith.constant 0 : i32
    %c0_i32_0 = arith.constant 0 : i32
    %c0_i32_1 = arith.constant 0 : i32
    return %c0_i32, %c0_i32_0 : i32, i32
  }
  func.func @transform_5(%arg0: i32) -> (i32, i32) {
    %c0_i32 = arith.constant 0 : i32
    %c0_i32_0 = arith.constant 0 : i32
    %c0_i32_1 = arith.constant 0 : i32
    return %c0_i32, %c0_i32_0 : i32, i32
  }
  func.func @transform_6(%arg0: i32) -> (i32, i32) {
    %c0_i32 = arith.constant 0 : i32
    %c0_i32_0 = arith.constant 0 : i32
    %c0_i32_1 = arith.constant 0 : i32
    return %c0_i32, %c0_i32_0 : i32, i32
  }
  func.func @transform_7(%arg0: i32) -> (i32, i32) {
    %c0_i32 = arith.constant 0 : i32
    %c0_i32_0 = arith.constant 0 : i32
    %c0_i32_1 = arith.constant 0 : i32
    return %c0_i32, %c0_i32_0 : i32, i32
  }
  func.func @transform_8(%arg0: i32) -> (i32, i32) {
    %c0_i32 = arith.constant 0 : i32
    %c0_i32_0 = arith.constant 0 : i32
    %c0_i32_1 = arith.constant 0 : i32
    return %c0_i32, %c0_i32_0 : i32, i32
  }
  func.func @transform_9(%arg0: i32) -> (i32, i32) {
    %c0_i32 = arith.constant 0 : i32
    %c0_i32_0 = arith.constant 0 : i32
    %c0_i32_1 = arith.constant 0 : i32
    return %c0_i32, %c0_i32_0 : i32, i32
  }
  func.func @transform_10(%arg0: i32) -> (i32, i32) {
    %c0_i32 = arith.constant 0 : i32
    %c0_i32_0 = arith.constant 0 : i32
    return %arg0, %c0_i32 : i32, i32
  }
}

</mosaic_0001>

<sc_bundles>
// kernel: kernel.5.cloned.1.call-start
scs
__scs_entry_jumppad:
0x0: {  	(pc) =	sbr.rel $0x88, $3  }
0x1: {  	(tag) =	ssettag $0x0;
	lr =	simm.s32 $0x1  }
0x2: {  	[smem:$0x3F95] =	sst lr;
	_ =	strace $0xD0000000  }
0x3: {  	_ = 	snop  }
0x4: {  	_ = 	snop  }
0x5: {  	_ = 	snop  }
0x6: {  	_ = 	snop  }
0x7: {  	_ = 	snop  }
__scs_overlays_trampoline_lowered:
0x8: {  	[smem:$0x3FA4] =	sst s0  }
0x9: {  	[smem:$0x3FA5] =	sst s1  }
0xa: {  	[smem:$0x3FA6] =	sst s2  }
0xb: {  	[smem:$0x3FA7] =	sst s3  }
0xc: {  	[smem:$0x3FA8] =	sst s4  }
0xd: {  	[smem:$0x3FA9] =	sst s5  }
0xe: {  	[smem:$0x3FAA] =	sst s6  }
0xf: {  	[smem:$0x3FAB] =	sst s7  }
0x10: {  	[smem:$0x3FAC] =	sst s8  }
0x11: {  	[smem:$0x3FAD] =	sst s9;
	s0 =	simm.s32 @!p0 $0x0  }
0x12: {  	s1 =	sld [smem:$0x3F93];
	s0 =	simm.s32 @p0 $0x1  }
0x13: {  	[smem:$0x3FAE] =	sst s0;
	s0 =	simm.s32 @!p1 $0x0  }
0x14: {  	s2 =	sld [smem:$0x3F92];
	s0 =	simm.s32 @p1 $0x1  }
0x15: {  	[smem:$0x3FAF] =	sst s0;
	s0 =	simm.s32 @!p2 $0x0  }
0x16: {  	s3 =	sld [smem:$0x3FDB];
	s0 =	simm.s32 @p2 $0x1  }
0x17: {  	s4 =	simm.s32 $0x1BF5;
	[smem:$0x3FB1] =	sst s0  }
0x18: {  	s0 =	sld [smem:$0x3F94];
	_ =	swait.ge [sflag:s4], $0x0  }
0x19: {  	s7 =	sld [smem:$0x3F95]  }
0x1a: {  	s8 =	sadd.s32 $0xFFFFE003, lr  }
0x1b: {  	s9 =	sadd.s32 $0xFFFFFEF7, lr;
	s5 =	simm.s32 $0xFFFFFFFF;
	p2 =	slt.u32 s8, $0xFFFFF086  }
0x1c: {  	p1 =	slt.u32 s9, $0xF7A;
	s5 =	simm.s32 @!p2 $0x0  }
0x1d: {  	s5 =	simm.s32 @p1 $0x1;
	p0 =	seq.s32 s7, s2  }
0x1e: {  	s7 =	smul.u32 @!p0 $0xF7A, s2;
	p2 =	seq.s32 @!p0 s5, $0x0  }
0x1f: {  	s9 =	smul.u32 $0xF7A, s1;
	s8 =	simm.s32 @!p0 $0x1BF5;
	p2 =	por !p2, p0  }
0x20: {  	[sflag:s8] =	ssyncset.s32 @!p0 $0xFFFFF086;
	s6 =	sadd.s32 @!p0 s3, s7;
	s7 =	simm.s32 @!p0 $0x108  }
0x21: {  	s3 =	sadd.s32 s3, s9;
	s6 =	sadd.s32 @!p0 $0x88, s6;
	s7 =	simm.s32 @p2 $0x1082  }
0x22: {  	[simem:s7], [sflag:s8] =	dma.local @!p0 [hbm:s6], $0xF7A  }
0x23: {  	s9 =	sor.u32 $0xD0000000, s2;
	s6 =	simm.s32 $0x108;
	_ =	swait.ge @!p0 [sflag:s8], $0x0  }
0x24: {  	s3 =	sadd.s32 $0x88, s3;
	s6 =	simm.s32 @!p1 $0x1082;
	[sflag:s4] =	ssyncset.s32 $0xFFFFF086  }
0x25: {  	[simem:s6], [sflag:s4] =	dma.local [hbm:s3], $0xF7A  }
0x26: {  	[smem:$0x3F95] =	sst s1;
	(tag) =	ssettag s2;
	_ =	strace s9  }
0x27: {  	s1 =	sld [smem:$0x3FA5]  }
0x28: {  	s2 =	sld [smem:$0x3FA6]  }
0x29: {  	s4 =	sld [smem:$0x3FA8]  }
0x2a: {  	p0 =	seq.s32 s5, $0x0;
	s5 =	sld [smem:$0x3FA9]  }
0x2b: {  	s6 =	sld [smem:$0x3FAA]  }
0x2c: {  	s7 =	sld [smem:$0x3FAB]  }
0x2d: {  	s3 =	simm.s32 $0x108;
	s8 =	sld [smem:$0x3FAC]  }
0x2e: {  	s3 =	simm.s32 @!p0 $0x1082;
	s9 =	sld [smem:$0x3FAD]  }
0x2f: {  	lr =	sadd.s32 s0, s3;
	s0 =	sld [smem:$0x3FA4]  }
0x30: {  	s3 =	sld [smem:$0x3FA7]  }
0x31: {  	[smem:$0x3FB0] =	sst s10  }
0x32: {  	s10 =	sld [smem:$0x3FAE];
	_ =	sdelay $0x3  }
0x33: {  	p0 =	seq.s32 s10, $0x1;
	s10 =	sld [smem:$0x3FB0];
	_ =	sdelay $0x3  }
0x34: {  	[smem:$0x3FB0] =	sst s10  }
0x35: {  	s10 =	sld [smem:$0x3FAF];
	_ =	sdelay $0x3  }
0x36: {  	p1 =	seq.s32 s10, $0x1;
	s10 =	sld [smem:$0x3FB0];
	_ =	sdelay $0x3  }
0x37: {  	[smem:$0x3FB0] =	sst s10  }
0x38: {  	s10 =	sld [smem:$0x3FB1]  }
0x39: {  	_ = 	snop;
	(pc) =	sbr.ind lr, $3  }
0x3a: {  	_ = 	snop  }
0x3b: {  	_ = 	snop  }
0x3c: {  	p2 =	seq.s32 s10, $0x1;
	s10 =	sld [smem:$0x3FB0]  }
0x3d: {  	_ =	shalt  }
0x3e: {  	_ =	shalt  }
0x3f: {  	_ =	shalt  }
0x40: {  	_ =	shalt  }
0x41: {  	_ =	shalt  }
0x42: {  	_ =	shalt  }
0x43: {  	_ =	shalt  }
0x44: {  	_ =	shalt  }
0x45: {  	_ =	shalt  }
0x46: {  	_ =	shalt  }
0x47: {  	_ =	shalt  }
0x48: {  	_ =	shalt  }
0x49: {  	_ =	shalt  }
0x4a: {  	_ =	shalt  }
0x4b: {  	_ =	shalt  }
0x4c: {  	_ =	shalt  }
0x4d: {  	_ =	shalt  }
0x4e: {  	_ =	shalt  }
0x4f: {  	_ =	shalt  }
0x50: {  	_ =	shalt  }
0x51: {  	_ =	shalt  }
0x52: {  	_ =	shalt  }
0x53: {  	_ =	shalt  }
0x54: {  	_ =	shalt  }
0x55: {  	_ =	shalt  }
0x56: {  	_ =	shalt  }
0x57: {  	_ =	shalt  }
0x58: {  	_ =	shalt  }
0x59: {  	_ =	shalt  }
0x5a: {  	_ =	shalt  }
0x5b: {  	_ =	shalt  }
0x5c: {  	_ =	shalt  }
0x5d: {  	_ =	shalt  }
0x5e: {  	_ =	shalt  }
0x5f: {  	_ =	shalt  }
0x60: {  	_ =	shalt  }
0x61: {  	_ =	shalt  }
0x62: {  	_ =	shalt  }
0x63: {  	_ =	shalt  }
0x64: {  	_ =	shalt  }
0x65: {  	_ =	shalt  }
0x66: {  	_ =	shalt  }
0x67: {  	_ =	shalt  }
0x68: {  	_ =	shalt  }
0x69: {  	_ =	shalt  }
0x6a: {  	_ =	shalt  }
0x6b: {  	_ =	shalt  }
0x6c: {  	_ =	shalt  }
0x6d: {  	_ =	shalt  }
0x6e: {  	_ =	shalt  }
0x6f: {  	_ =	shalt  }
0x70: {  	_ =	shalt  }
0x71: {  	_ =	shalt  }
0x72: {  	_ =	shalt  }
0x73: {  	_ =	shalt  }
0x74: {  	_ =	shalt  }
0x75: {  	_ =	shalt  }
0x76: {  	_ =	shalt  }
0x77: {  	_ =	shalt  }
0x78: {  	_ =	shalt  }
0x79: {  	_ =	shalt  }
0x7a: {  	_ =	shalt  }
0x7b: {  	_ =	shalt  }
0x7c: {  	_ =	shalt  }
0x7d: {  	_ =	shalt  }
0x7e: {  	_ =	shalt  }
0x7f: {  	_ =	shalt  }
0x80: {  	_ =	shalt  }
0x81: {  	_ =	shalt  }
0x82: {  	_ =	shalt  }
0x83: {  	_ =	shalt  }
0x84: {  	_ =	shalt  }
0x85: {  	_ =	shalt  }
0x86: {  	_ =	shalt  }
0x87: {  	_ =	shalt  }
.Lfunc_end0:
.L_simem_size_0:
called_computation_lowered:
.L_overlay_start_0:
0x88: {  	s0 =	sld [smem:$0x3FD9]  }
0x89: {  	s1 =	sld [smem:$0x3FFE];
	_ =	sdelay $0x3  }
0x8a: {  	s0 =	sadd.s32 s1, s0  }
0x8b: {  	[smem:$0x3FBC] =	sst s0  }
0x8c: {  	_ = 	snop  }
0x8d: {  	(tm) =	ssettm $0x1  }
0x8e: {  	s15 =	sld [smem:$0x3FFB];
	_ =	sdelay $0x3  }
0x8f: {  	_ =	strace s15  }
0x90: {  	s0 =	sld [smem:$0x3FFC];
	_ =	sdelay $0x3  }
0x91: {  	_ =	strace s0  }
0x92: {  	s0 =	sld [smem:$0x3FFD];
	_ =	sdelay $0x3  }
0x93: {  	_ =	strace s0  }
0x94: {  	_ =	strace $0x8FFFFFFF  }
0x95: {  	s16 =	sld [smem:$0x3FDB];
	_ =	sdelay $0x1  }
0x96: {  	s17 =	simm.s32 $_scs_section_size  }
0x97: {  	s2 =	simm.s32 $_size__tile_overlayer_lowered;
	s3 =	simm.s32 $_tile_overlayer_lowered  }
0x98: {  	s20 =	simm.s32 $0x1BFF;
	s19 =	sshll.u32 s3, $0x1;
	s0 =	sadd.s32 s17, s16  }
0x99: {  	s4 =	simm.s32 $0x0;
	s18 =	sshll.u32 s2, $0x1;
	s2 =	sadd.s32 s19, s0  }
0x9a: {  	[timem:s4], [sflag:s20] =	dma.local [hbm:s2], s18  }
0x9b: {  	_ =	swait.ge [sflag:s20], s18  }
0x9c: {  	s1 =	ssub.s32 $0x0, s18;
	[sflag:s20] =	ssyncset.done $0x0  }
0x9d: {  	[sflag:s20] =	ssyncadd.s32 s1;
	_ =	sdelay $0x1  }
0x9e: {  	s21 =	simm.s32 $0x1B8B  }
0x9f: {  	_ =	swait.ge [sflag:s21], $0x1  }
0xa0: {  	[sflag:s21] =	ssyncset.done $0x0  }
0xa1: {  	s23 =	simm.s32 $0x1B8E;
	s22 =	sld [smem:$0x3FFE];
	[sflag:s21] =	ssyncadd.s32 $0xFFFFFFFF  }
0xa2: {  	s24 =	simm.s32 $execute0_lowered;
	[smem:$0x3FD2] =	sst s23  }
0xa3: {  	s2 =	sshll.u32 s24, $0x1;
	_ =	strace $0x80000046;
	[dreg:$0x1] =	wrdreg $0xFFFFFFFF  }
0xa4: {  	s25 =	simm.s32 $_size_execute0_lowered;
	s0 =	sadd.s32 s0, s2;
	[dreg:$0x0] =	wrdreg $0x0  }
0xa5: {  	s2 =	sshll.u32 s25, $0x1;
	[dreg:$0x2] =	wrdreg s0  }
0xa6: {  	[dreg:$0x3] =	wrdreg s2  }
0xa7: {  	[dreg:$0x4] =	wrdreg $0xC0  }
0xa8: {  	_ =	task [dreg:s4], $0x5FFFF  }
0xa9: {  	[dreg:$0x1] =	wrdreg $0xFFFFFFFF  }
0xaa: {  	[dreg:$0x0] =	wrdreg $0x60  }
0xab: {  	[dreg:$0x2] =	wrdreg s22  }
0xac: {  	[dreg:$0x3] =	wrdreg $0xBC000  }
0xad: {  	[dreg:$0x4] =	wrdreg $0x9  }
0xae: {  	_ =	task.clear_ibuf [dreg:s4], $0x5FFFF;
	_ =	strace $0x90000046  }
0xaf: {  	s26 =	simm.s32 $0x9;
	_ =	strace $0x80000048  }
0xb0: {  	_ =	swait.ge [sflag:s26], $0x1  }
0xb1: {  	[sflag:s26] =	ssyncadd.s32 $0xFFFFFFFF  }
0xb2: {  	_ =	strace $0x90000048  }
0xb3: {  	_ =	sfence  }
0xb4: {  	s28 =	sld [smem:$0x0];
	_ =	sdelay $0x1  }
0xb5: {  	s29 =	srdreg.scid  }
0xb6: {  	s30 =	sshll.u32 s29, $0xD;
	s31 =	sshrl.u32 s29, $0x2  }
0xb7: {  	s1 =	sand.u32 $0x1, s29;
	s2 =	sand.u32 $0x4000, s30;
	s0 =	sadd.s32 s31, s28  }
0xb8: {  	s1 =	sor.u32 s2, s1;
	s0 =	sshll.u32 s0, $0x11  }
0xb9: {  	s0 =	sor.u32 s0, s1  }
0xba: {  	s0 =	sadd.s32 $0x8F2B, s0  }
0xbb: {  	[sflag:s0] =	ssyncadd.remote.s32 $0x1  }
0xbc: {  	_ =	sfence.sel $0xFFFF  }
0xbd: {  	[dreg:$0x0] =	wrdreg $0xFFFFFFFF;
	(pc) =	sbr.abs _section_cstart, $3  }
0xbe: {  	[dreg:$0x1] =	wrdreg $0xFFFFFFFF  }
0xbf: {  	_ =	task.clear_ibuf [dreg:s4], $0x2FFFF;
	_ =	strace $0x9FFFFFFF  }
0xc0: {  	(tm) =	ssettm $0x7FFFFFFF  }
0xc1: {  	_ =	shalt  }
tec
execute0_lowered:
.L_overlay_start_1:
0x0: {  	(tag) =	ssettag $0x1  }
0x1: {  	s1 =	rddreg [dreg:$0x0]  }
0x2: {  	s2 =	rddreg [dreg:$0x1]  }
0x3: {  	s0 =	rddreg [dreg:$0x2]  }
0x4: {  	s3 =	simm.s32 $0x0;
	s6 =	simm.s32 $0x0;
	s7 =	simm.s32 $0x200  }
0x5: {  	[smem:$0x7FF] =	sst s3;
	s4 =	sadd.s32 $0x3DE00, s1;
	s5 =	sadd.s32 $0x1E00, s1  }
0x6: {  	v0 =	vimm.f32 $0.0e+00;
	s3 =	sadd.s32 $0x66400, s1;
	s1 =	stileid.u32;
	_ =	strace $0x80000047  }
.LBB2_1:
0x7: {  	p0 =	sne.s32 s7, $0xFE00;
	[tilespmem:s6+$0x3C70] =	vst v0  }
0x8: {  	[tilespmem:s6+$0x3C00] =	vst v0  }
0x9: {  	[tilespmem:s6+$0x3C10] =	vst v0  }
.Ltmp0:
0xa: {  	[tilespmem:s6+$0x3C20] =	vst v0;
	(pc) =	sbr.rel @p0 .LBB2_1-.Ltmp0, $4  }
0xb: {  	[tilespmem:s6+$0x3C30] =	vst v0  }
0xc: {  	[tilespmem:s6+$0x3C40] =	vst v0  }
0xd: {  	[tilespmem:s6+$0x3C50] =	vst v0  }
0xe: {  	[tilespmem:s6+$0x3C60] =	vst v0;
	s6 =	sshra.s32 s7, $0x2;
	s7 =	sadd.s32 $0x200, s7  }
0xf: {  	[tilespmem:s6+$0x3C70] =	vst v0  }
0x10: {  	[tilespmem:s6+$0x3C00] =	vst v0  }
0x11: {  	[tilespmem:s6+$0x3C10] =	vst v0  }
0x12: {  	[tilespmem:s6+$0x3C20] =	vst v0  }
0x13: {  	[tilespmem:s6+$0x3C30] =	vst v0;
	s7 =	smul.u32 $0x50000, s1  }
0x14: {  	[tilespmem:s6+$0x3C40] =	vst v0  }
0x15: {  	[tilespmem:s6+$0x3C50] =	vst v0;
	s7 =	sshrl.u32 s7, $0x2  }
0x16: {  	[tilespmem:s6+$0x3C60] =	vst v0;
	s8 =	simm.s32 $0x5;
	s6 =	sadd.s32 s7, s2;
	s7 =	simm.s32 $0x3C00  }
0x17: {  	[spmem:s6] =	stream.linear.scatter [tilespmem:s7], [sflag:$0x5], $0x4000, $0x38;
	[tilespmem:$0x1FC00] =	vst v63  }
0x18: {  	_ =	swait.ge [sflag:s8], $0x4000  }
0x19: {  	[sflag:s8] =	ssyncset.done $0x0  }
0x1a: {  	s9 =	sadd.s32 $0x4000, s6;
	[sflag:s8] =	ssyncadd.s32 $0xFFFFC000  }
0x1b: {  	[spmem:s9] =	stream.linear.scatter [tilespmem:s7], [sflag:$0x5], $0x4000, $0x38;
	[tilespmem:$0x1FC00] =	vst v63  }
0x1c: {  	_ =	swait.ge [sflag:s8], $0x4000  }
0x1d: {  	[sflag:s8] =	ssyncset.done $0x0  }
0x1e: {  	s29 =	sadd.s32 $0x8000, s6;
	[sflag:s8] =	ssyncadd.s32 $0xFFFFC000  }
0x1f: {  	[spmem:s29] =	stream.linear.scatter [tilespmem:s7], [sflag:$0x5], $0x4000, $0x38;
	[tilespmem:$0x1FC00] =	vst v63  }
0x20: {  	_ =	swait.ge [sflag:s8], $0x4000  }
0x21: {  	[sflag:s8] =	ssyncset.done $0x0  }
0x22: {  	s30 =	sadd.s32 $0xC000, s6;
	[sflag:s8] =	ssyncadd.s32 $0xFFFFC000  }
0x23: {  	[spmem:s30] =	stream.linear.scatter [tilespmem:s7], [sflag:$0x5], $0x4000, $0x38;
	[tilespmem:$0x1FC00] =	vst v63  }
0x24: {  	_ =	swait.ge [sflag:s8], $0x4000  }
0x25: {  	s10 =	simm.s32 $0x0;
	s11 =	simm.s32 $0x80;
	[sflag:s8] =	ssyncset.done $0x0  }
0x26: {  	s12 =	simm.s32 $0x7C00;
	s31 =	sadd.s32 $0x10000, s6;
	[sflag:s8] =	ssyncadd.s32 $0xFFFFC000  }
0x27: {  	[spmem:s31] =	stream.linear.scatter [tilespmem:s7], [sflag:$0x5], $0x4000, $0x38;
	[tilespmem:$0x1FC00] =	vst v63  }
0x28: {  	s13 =	simm.s32 $0x1;
	s14 =	simm.s32 $0x2;
	_ =	swait.ge [sflag:s8], $0x4000  }
0x29: {  	s15 =	simm.s32 $0x3;
	s16 =	simm.s32 $0x4;
	[sflag:s8] =	ssyncset.done $0x0  }
0x2a: {  	s17 =	simm.s32 $0x3B00;
	s18 =	simm.s32 $0x3B80;
	[sflag:s8] =	ssyncadd.s32 $0xFFFFC000  }
0x2b: {  	s19 =	simm.s32 $0x0;
	s9 =	sshll.u32 s1, $0x3;
	[bflag:$0x0] =	sbarrier.arrive $0xFFFF  }
.LBB2_3:
0x2c: {  	s20 =	sadd.s32 s9, s19  }
0x2d: {  	s20 =	smul.u32 $0x780, s20;
	_ =	sdelay $0x1  }
0x2e: {  	s20 =	sadd.s32 s5, s20  }
0x2f: {  	[tilespmem:s10], [sflag:$0x5] =	stream.linear.gather [hbm4b:s20+s10], $0x3C00, $0x38;
	[tilespmem:$0x1FC00] =	vst v63  }
0x30: {  	_ =	swait.ge [sflag:s8], $0x3C00  }
0x31: {  	[sflag:s8] =	ssyncset.done $0x0  }
0x32: {  	[sflag:s8] =	ssyncadd.s32 $0xFFFFC400  }
0x33: {  	[tilespmem:s7], [sflag:$0x1] =	stream.indirect.gather [hbm4b:s4+s11], $0x80, s10, s11, $0xb8;
	[tilespmem:$0x1FC00] =	vst v63  }
0x34: {  	_ = 	snop  }
0x35: {  	[tilespmem:s12], [sflag:$0x2] =	stream.indirect.gather [hbm4b:s4+s11], $0x80, s11, s11, $0xb8;
	[tilespmem:$0x1FC00] =	vst v63  }
0x36: {  	_ =	swait.ge [sflag:s13], $0x4000  }
0x37: {  	[sflag:s13] =	ssyncset.done $0x0  }
0x38: {  	s29 =	simm.s32 $0x1E00;
	[sflag:s13] =	ssyncadd.s32 $0xFFFFC000  }
0x39: {  	[spmem:s2] =	stream.indirect.scatter.add.f32 [tilespmem:s7], [sflag:$0x3], $0x80, s29, s11, $0xb8;
	[tilespmem:$0x1FC00] =	vst v63  }
0x3a: {  	_ =	swait.ge [sflag:s14], $0x4000  }
0x3b: {  	[sflag:s14] =	ssyncset.done $0x0  }
0x3c: {  	s30 =	simm.s32 $0x1E80;
	[sflag:s14] =	ssyncadd.s32 $0xFFFFC000  }
0x3d: {  	[spmem:s2] =	stream.indirect.scatter.add.f32 [tilespmem:s12], [sflag:$0x4], $0x80, s30, s11, $0xb8;
	[tilespmem:$0x1FC00] =	vst v63  }
0x3e: {  	_ =	swait.ge [sflag:s15], $0x4000  }
0x3f: {  	[sflag:s15] =	ssyncset.done $0x0  }
0x40: {  	s31 =	simm.s32 $0x100;
	[sflag:s15] =	ssyncadd.s32 $0xFFFFC000  }
0x41: {  	[tilespmem:s7], [sflag:$0x1] =	stream.indirect.gather [hbm4b:s4+s11], $0x80, s31, s11, $0xb8;
	[tilespmem:$0x1FC00] =	vst v63  }
0x42: {  	_ =	swait.ge [sflag:s16], $0x4000  }
0x43: {  	[sflag:s16] =	ssyncset.done $0x0  }
0x44: {  	s21 =	simm.s32 $0x180;
	s20 =	simm.s32 $0x800;
	[sflag:s16] =	ssyncadd.s32 $0xFFFFC000  }
.LBB2_4:
0x45: {  	[tilespmem:s12], [sflag:$0x2] =	stream.indirect.gather [hbm4b:s4+s11], $0x80, s21, s11, $0xb8;
	[tilespmem:$0x1FC00] =	vst v63  }
0x46: {  	s21 =	smov.u32 s20  }
0x47: {  	p0 =	sne.s32 s20, $0x7400;
	s20 =	sadd.s32 $0x400, s20;
	_ =	swait.ge [sflag:s13], $0x4000  }
0x48: {  	s21 =	sshra.s32 s21, $0x2;
	[sflag:s13] =	ssyncset.done $0x0  }
0x49: {  	s22 =	sadd.s32 $0x1D00, s21;
	[sflag:s13] =	ssyncadd.s32 $0xFFFFC000  }
0x4a: {  	[spmem:s2] =	stream.indirect.scatter.add.f32 [tilespmem:s7], [sflag:$0x3], $0x80, s22, s11, $0xb8;
	[tilespmem:$0x1FC00] =	vst v63  }
0x4b: {  	_ =	swait.ge [sflag:s14], $0x4000  }
0x4c: {  	[sflag:s14] =	ssyncset.done $0x0  }
0x4d: {  	s22 =	sadd.s32 $0x1D80, s21;
	[sflag:s14] =	ssyncadd.s32 $0xFFFFC000  }
0x4e: {  	[spmem:s2] =	stream.indirect.scatter.add.f32 [tilespmem:s12], [sflag:$0x4], $0x80, s22, s11, $0xb8;
	[tilespmem:$0x1FC00] =	vst v63  }
0x4f: {  	_ =	swait.ge [sflag:s15], $0x4000  }
0x50: {  	[sflag:s15] =	ssyncset.done $0x0  }
.Ltmp1:
0x51: {  	[sflag:s15] =	ssyncadd.s32 $0xFFFFC000;
	(pc) =	sbr.rel @p0 .LBB2_4-.Ltmp1, $4  }
0x52: {  	[tilespmem:s7], [sflag:$0x1] =	stream.indirect.gather [hbm4b:s4+s11], $0x80, s21, s11, $0xb8;
	[tilespmem:$0x1FC00] =	vst v63  }
0x53: {  	_ =	swait.ge [sflag:s16], $0x4000  }
0x54: {  	[sflag:s16] =	ssyncset.done $0x0  }
0x55: {  	s21 =	sadd.s32 $0x80, s21;
	[sflag:s16] =	ssyncadd.s32 $0xFFFFC000  }
0x56: {  	[tilespmem:s12], [sflag:$0x2] =	stream.indirect.gather [hbm4b:s4+s11], $0x80, s21, s11, $0xb8;
	[tilespmem:$0x1FC00] =	vst v63  }
0x57: {  	_ =	swait.ge [sflag:s13], $0x4000  }
0x58: {  	[sflag:s13] =	ssyncset.done $0x0  }
0x59: {  	[sflag:s13] =	ssyncadd.s32 $0xFFFFC000  }
0x5a: {  	[spmem:s2] =	stream.indirect.scatter.add.f32 [tilespmem:s7], [sflag:$0x3], $0x80, s17, s11, $0xb8;
	[tilespmem:$0x1FC00] =	vst v63  }
0x5b: {  	_ =	swait.ge [sflag:s14], $0x4000  }
0x5c: {  	[sflag:s14] =	ssyncset.done $0x0  }
0x5d: {  	s19 =	sadd.s32 $0x1, s19;
	[sflag:s14] =	ssyncadd.s32 $0xFFFFC000  }
0x5e: {  	[spmem:s2] =	stream.indirect.scatter.add.f32 [tilespmem:s12], [sflag:$0x4], $0x80, s18, s11, $0xb8;
	[tilespmem:$0x1FC00] =	vst v63  }
0x5f: {  	p0 =	sne.s32 s19, $0x8;
	_ =	swait.ge [sflag:s15], $0x4000  }
.Ltmp2:
0x60: {  	[sflag:s15] =	ssyncset.done $0x0;
	(pc) =	sbr.rel @p0 .LBB2_3-.Ltmp2, $4  }
0x61: {  	[sflag:s15] =	ssyncadd.s32 $0xFFFFC000  }
0x62: {  	_ =	swait.ge [sflag:s16], $0x4000  }
0x63: {  	[sflag:s16] =	ssyncset.done $0x0  }
0x64: {  	[sflag:s16] =	ssyncadd.s32 $0xFFFFC000  }
0x65: {  	s2 =	smul.u32 $0x2800, s1  }
0x66: {  	s30 =	sshll.u32 s1, $0x6;
	[bflag:$0x0] =	sbarrier.arrive $0xFFFF;
	s4 =	sshrl.u32 s6, $0x3  }
0x67: {  	s31 =	simm.s32 $0x5;
	s2 =	sadd.s32 s3, s2;
	s3 =	sor.u32 $0x1C05, s30  }
0x68: {  	[hbm:s2], [sflag:s3] =	dma.local [spmem:s4], $0x2800  }
0x69: {  	_ =	swait.ge [sflag:s31], $0x2800  }
0x6a: {  	[sflag:s31] =	ssyncset.done $0x0  }
0x6b: {  	[sflag:s31] =	ssyncadd.s32 $0xFFFFD800  }
0x6c: {  	_ =	sfence.sel $0x180000  }
0x6d: {  	[bflag:$0x0] =	sbarrier.arrive $0xFFFF  }
0x6e: {  	p0 =	sne.s32 s1, $0x0;
	_ =	strace $0x90000047  }
0x6f: {  	s0 =	sadd.s32 @!p0 $0x100000, s0;
	[bflag:$0x2] =	sbarrier.arrive $0xFFFF  }
0x70: {  	[sflag:s0] =	ssyncadd.tile.s32 @!p0 $0x1;
	_ =	shalt  }
.Lfunc_end2:
_tile_overlayer_lowered:
.L_overlay_start_2:
0x71: {  	(tag) =	ssettag $0x2  }
0x72: {  	s0 =	rddreg [dreg:$0x0];
	s2 =	stileid.u32  }
0x73: {  	s1 =	rddreg [dreg:$0x1];
	p0 =	sne.s32 s2, $0x0  }
0x74: {  	s3 =	rddreg [dreg:$0x2];
	[bflag:$0x3] =	sbarrier.arrive $0xFFFF;
	s2 =	simm.s32 @!p0 $0x1C05  }
0x75: {  	[timem:s3], [sflag:s2] =	dma.local @!p0 [hbm:s0], s1  }
0x76: {  	s0 =	simm.s32 @!p0 $0x5  }
0x77: {  	_ =	swait.ge @!p0 [sflag:s0], s1  }
0x78: {  	s1 =	ssub.s32 @!p0 $0x0, s1;
	[sflag:s0] =	ssyncset.done @!p0 $0x0  }
0x79: {  	[sflag:s0] =	ssyncadd.s32 @!p0 s1  }
0x7a: {  	[bflag:$0x3] =	sbarrier.arrive $0xFFFF  }
0x7b: {  	_ =	shalt  }

</sc_bundles>
